<compile_context>
chip_gen: v7x
topology: tpu7x:2x2x1
jax: 0.10.2.dev20260603
libtpu: 0.0.44.dev20260713+nightly
codegen_flags: <defaults>
</compile_context>

<pallas_src>
import functools

import jax
import jax.numpy as jnp
from jax import lax
from jax.experimental import pallas as pl
from jax.experimental.pallas import tpu as pltpu
from jax.experimental.pallas import tpu_sc as plsc

N = 10000
E = 320000
D = 128

NC = 2
NS = 16
NW = NC * NS
EDGES_PER_TILE = E // NW
CSZ = 125
NCH = EDGES_PER_TILE // CSZ
NH = 2
HCH = NCH // NH
NCH_TOTAL = E // CSZ
SLAB = 624
REM = N - NS * SLAB


KB = 10


def _agg_kernel(x_hbm, src_hbm, dst_hbm, zeros_hbm, out_hbm,
                srcv, dstv, buf0, buf1, shared, sem0, sem1):
    cid = lax.axis_index("c")
    sid = lax.axis_index("s")
    wid = cid * NS + sid
    chunk_base = wid * NCH

    idx0 = pltpu.async_copy(src_hbm.at[pl.ds(chunk_base, HCH)], srcv, sem0)
    idx1 = pltpu.async_copy(dst_hbm.at[pl.ds(chunk_base, HCH)], dstv, sem1)

    pltpu.sync_copy(zeros_hbm, shared.at[pl.ds(sid * SLAB, SLAB)])

    @pl.when(sid == NS - 1)
    def _():
        pltpu.sync_copy(zeros_hbm.at[pl.ds(0, REM)],
                        shared.at[pl.ds(NS * SLAB, REM)])

    plsc.subcore_barrier()

    bufs = (buf0, buf1)
    sems = (sem0, sem1)

    for h in range(NH):
        if h > 0:
            pltpu.sync_copy(src_hbm.at[pl.ds(chunk_base + h * HCH, HCH)],
                            srcv)
            pltpu.sync_copy(dst_hbm.at[pl.ds(chunk_base + h * HCH, HCH)],
                            dstv)
        else:
            idx0.wait()
            idx1.wait()

        for b in range(2):
            pltpu.async_copy(x_hbm.at[srcv.at[b]], bufs[b], sems[b])

        @pl.loop(0, HCH, step=KB)
        def _(j0):
            for b in range(KB):
                pltpu.make_async_copy(
                    x_hbm.at[srcv.at[j0 + b]], bufs[b % 2], sems[b % 2]
                ).wait()
                pltpu.sync_copy(bufs[b % 2], shared.at[dstv.at[j0 + b]],
                                add=True)
                nxt = j0 + b + 2

                @pl.when(nxt < HCH)
                def _():
                    pltpu.async_copy(
                        x_hbm.at[srcv.at[nxt]], bufs[b % 2], sems[b % 2])

    plsc.subcore_barrier()

    pltpu.sync_copy(shared.at[pl.ds(sid * SLAB, SLAB)],
                    out_hbm.at[cid, pl.ds(sid * SLAB, SLAB)])

    @pl.when(sid == NS - 1)
    def _():
        pltpu.sync_copy(shared.at[pl.ds(NS * SLAB, REM)],
                        out_hbm.at[cid, pl.ds(NS * SLAB, REM)])


@functools.cache
def _agg():
    return pl.kernel(
        _agg_kernel,
        out_type=jax.ShapeDtypeStruct((NC, N, D), jnp.float32),
        mesh=plsc.VectorSubcoreMesh(core_axis_name="c", subcore_axis_name="s",
                                    num_cores=NC, num_subcores=NS),
        scratch_types=[
            pltpu.VMEM((HCH, CSZ), jnp.int32),
            pltpu.VMEM((HCH, CSZ), jnp.int32),
            pltpu.VMEM((CSZ, D), jnp.float32),
            pltpu.VMEM((CSZ, D), jnp.float32),
            pltpu.VMEM_SHARED((N, D), jnp.float32),
            pltpu.SemaphoreType.DMA,
            pltpu.SemaphoreType.DMA,
        ],
    )


BM = 2000


def _dense_kernel(x_ref, p_ref, u_ref, v_ref, o_ref):
    agg = p_ref[0] + p_ref[1]
    dn = (((1,), (1,)), ((), ()))
    acc = lax.dot_general(x_ref[...], u_ref[...], dn,
                          preferred_element_type=jnp.float32)
    acc += lax.dot_general(agg, v_ref[...], dn,
                           preferred_element_type=jnp.float32)
    o_ref[...] = jnp.maximum(acc, 0.0)


def _dense(x, partials, U, V):
    return pl.pallas_call(
        _dense_kernel,
        grid=(N // BM,),
        in_specs=[
            pl.BlockSpec((BM, D), lambda m: (m, 0)),
            pl.BlockSpec((NC, BM, D), lambda m: (0, m, 0)),
            pl.BlockSpec((D, D), lambda m: (0, 0)),
            pl.BlockSpec((D, D), lambda m: (0, 0)),
        ],
        out_specs=pl.BlockSpec((BM, D), lambda m: (m, 0)),
        out_shape=jax.ShapeDtypeStruct((N, D), jnp.float32),
    )(x, partials, U, V)


@jax.jit
def kernel(x, edge_index, U, V):
    src2 = edge_index[0].reshape(NCH_TOTAL, CSZ)
    dst2 = edge_index[1].reshape(NCH_TOTAL, CSZ)
    zeros = jnp.zeros((SLAB, D), jnp.float32)
    partials = _agg()(x, src2, dst2, zeros)
    return _dense(x, partials, U, V)

# --- scband reference (transcript-rebuilt; emitter-appended) ---
"""Pipeline reference for scband-gcnlayer-4303557230928 (READ-ONLY COPY).

The authoritative reference and input builder live on the scoring server;
editing this copy changes nothing except your own understanding.
"""

import jax, jax.numpy as jnp
import numpy as np

N = 10000
E = 320000
D_IN = 128
D_OUT = 128


def setup_inputs(seed: int = 0) -> dict:
    key = jax.random.key(seed)
    k1, k2, k3, k4 = jax.random.split(key, 4)
    x = jax.random.normal(k1, (N, D_IN), dtype=jnp.float32)
    edge_index = jax.random.randint(k2, (2, E), 0, N, dtype=jnp.int32)
    # xavier_normal_ for weight of shape (out, in): std = sqrt(2/(fan_in+fan_out))
    std = float(np.sqrt(2.0 / (D_IN + D_OUT)))
    U = jax.random.normal(k3, (D_OUT, D_IN), dtype=jnp.float32) * std
    V = jax.random.normal(k4, (D_OUT, D_IN), dtype=jnp.float32) * std
    return {"x": x, "edge_index": edge_index, "U": U, "V": V}


def reference(x, edge_index, U, V):
    # DGL update_all with copy-src message + sum reduce:
    #   agg[dst] = sum over incoming edges of x[src]
    src = edge_index[0]
    dst = edge_index[1]
    msgs = jnp.take(x, src, axis=0)                       # gather (SparseCore)
    agg = jax.ops.segment_sum(msgs, dst, num_segments=x.shape[0])  # scatter-add
    # reduce_function: ReLU(U @ x_dst + V @ agg)  (multiply_weight == feat @ W.T)
    dst_term = x @ U.T
    src_term = agg @ V.T
    out = jax.nn.relu(dst_term + src_term)
    return out

if __name__ == "__main__":
    import jax
    _d = setup_inputs()
    print(jax.jit(kernel)(*tuple(_d.values())))

</pallas_src>

<mosaic_0001>
#map = affine_map<(d0, d1) -> (0, 0)>
#map1 = affine_map<(d0, d1) -> (0, 0, 0)>
module attributes {stable_mosaic.version = 14 : i64} {
  func.func @_agg_kernel(%arg0: i32, %arg1: i32, %arg2: memref<10000x128xf32, #tpu.memory_space<hbm>>, %arg3: memref<2560x125xi32, #tpu.memory_space<hbm>>, %arg4: memref<2560x125xi32, #tpu.memory_space<hbm>>, %arg5: memref<624x128xf32, #tpu.memory_space<hbm>>, %arg6: memref<2x10000x128xf32, #tpu.memory_space<hbm>>, %arg7: memref<40x125xi32, #tpu.memory_space<vmem>>, %arg8: memref<40x125xi32, #tpu.memory_space<vmem>>, %arg9: memref<125x128xf32, #tpu.memory_space<vmem>>, %arg10: memref<125x128xf32, #tpu.memory_space<vmem>>, %arg11: memref<10000x128xf32, #tpu.memory_space<vmem_shared>>, %arg12: memref<!tpu.dma_semaphore, #tpu.memory_space<semaphore_mem>>, %arg13: memref<!tpu.dma_semaphore, #tpu.memory_space<semaphore_mem>>) attributes {dimension_semantics = [#tpu.dimension_semantics<core_parallel>, #tpu.dimension_semantics<subcore_parallel>], iteration_bounds = array<i64: 2, 16>, scalar_prefetch = 0 : i64, scratch_operands = 7 : i64, tpu.core_type = #tpu.core_type<sc_vector_subcore>, window_params = [{transform_indices = #map}, {transform_indices = #map}, {transform_indices = #map}, {transform_indices = #map}, {transform_indices = #map1}]} {
    %mul3A = arith.constant 16 : i32
    %mul3A_0 = arith.muli %arg0, %mul3A : i32
    %add3A = arith.addi %mul3A_0, %arg1 : i32
    %mul3A_1 = arith.constant 80 : i32
    %mul3A_2 = arith.muli %add3A, %mul3A_1 : i32
    %dma_start3A = arith.constant 0 : i32
    %dma_start3A_3 = tpu.memref_slice %arg3[%mul3A_2, %dma_start3A] : memref<2560x125xi32, #tpu.memory_space<hbm>> -> memref<40x125xi32, #tpu.memory_space<hbm>>
    %dma_start3A_4 = arith.constant 0 : i32
    %dma_start3A_5 = tpu.memref_slice %arg3[%mul3A_2, %dma_start3A_4] : memref<2560x125xi32, #tpu.memory_space<hbm>> -> memref<40x125xi32, #tpu.memory_space<hbm>>
    tpu.enqueue_dma source(%dma_start3A_5 : memref<40x125xi32, #tpu.memory_space<hbm>>) target(%arg7 : memref<40x125xi32, #tpu.memory_space<vmem>>) target_semaphore(%arg12 : memref<!tpu.dma_semaphore, #tpu.memory_space<semaphore_mem>>)
    %dma_start3A_6 = arith.constant 0 : i32
    %dma_start3A_7 = tpu.memref_slice %arg4[%mul3A_2, %dma_start3A_6] : memref<2560x125xi32, #tpu.memory_space<hbm>> -> memref<40x125xi32, #tpu.memory_space<hbm>>
    %dma_start3A_8 = arith.constant 0 : i32
    %dma_start3A_9 = tpu.memref_slice %arg4[%mul3A_2, %dma_start3A_8] : memref<2560x125xi32, #tpu.memory_space<hbm>> -> memref<40x125xi32, #tpu.memory_space<hbm>>
    tpu.enqueue_dma source(%dma_start3A_9 : memref<40x125xi32, #tpu.memory_space<hbm>>) target(%arg8 : memref<40x125xi32, #tpu.memory_space<vmem>>) target_semaphore(%arg13 : memref<!tpu.dma_semaphore, #tpu.memory_space<semaphore_mem>>)
    %mul3A_10 = arith.constant 624 : i32
    %mul3A_11 = arith.muli %arg1, %mul3A_10 : i32
    "tpu.region"() ({
      %run_scoped3A = tpu.sem_alloc : memref<!tpu.dma_semaphore, #tpu.memory_space<semaphore_mem>>
      %dma_start3A_72 = arith.constant 0 : i32
      %dma_start3A_73 = tpu.memref_slice %arg11[%mul3A_11, %dma_start3A_72] : memref<10000x128xf32, #tpu.memory_space<vmem_shared>> -> memref<624x128xf32, #tpu.memory_space<vmem_shared>>
      tpu.enqueue_dma source(%arg5 : memref<624x128xf32, #tpu.memory_space<hbm>>) target(%dma_start3A_73 : memref<624x128xf32, #tpu.memory_space<vmem_shared>>) target_semaphore(%run_scoped3A : memref<!tpu.dma_semaphore, #tpu.memory_space<semaphore_mem>>)
      %dma_wait3A_74 = arith.constant 0 : i32
      %dma_wait3A_75 = tpu.memref_slice %arg11[%mul3A_11, %dma_wait3A_74] : memref<10000x128xf32, #tpu.memory_space<vmem_shared>> -> memref<624x128xf32, #tpu.memory_space<vmem_shared>>
      tpu.wait_dma2 semaphore(%run_scoped3A : memref<!tpu.dma_semaphore, #tpu.memory_space<semaphore_mem>>) src(%arg5 : memref<624x128xf32, #tpu.memory_space<hbm>>) dst(%dma_wait3A_75 : memref<624x128xf32, #tpu.memory_space<vmem_shared>>)
      tpu.yield
    }) : () -> ()
    %eq3A = arith.constant 15 : i32
    %eq3A_12 = arith.cmpi eq, %arg1, %eq3A : i32
    %convert_element_type3A = arith.extui %eq3A_12 : i1 to i32
    %cond3A = arith.constant 0 : i32
    %cond3A_13 = arith.cmpi ne, %convert_element_type3A, %cond3A : i32
    scf.if %cond3A_13 {
      "tpu.region"() ({
        %run_scoped3A = tpu.sem_alloc : memref<!tpu.dma_semaphore, #tpu.memory_space<semaphore_mem>>
        %dma_start3A_72 = arith.constant 9984 : i32
        %dma_start3A_73 = arith.constant 0 : i32
        %dma_start3A_74 = tpu.memref_slice %arg11[%dma_start3A_72, %dma_start3A_73] : memref<10000x128xf32, #tpu.memory_space<vmem_shared>> -> memref<16x128xf32, #tpu.memory_space<vmem_shared>>
        %dma_start3A_75 = arith.constant 0 : i32
        %dma_start3A_76 = arith.constant 0 : i32
        %dma_start3A_77 = tpu.memref_slice %arg5[%dma_start3A_75, %dma_start3A_76] : memref<624x128xf32, #tpu.memory_space<hbm>> -> memref<16x128xf32, #tpu.memory_space<hbm>>
        tpu.enqueue_dma source(%dma_start3A_77 : memref<16x128xf32, #tpu.memory_space<hbm>>) target(%dma_start3A_74 : memref<16x128xf32, #tpu.memory_space<vmem_shared>>) target_semaphore(%run_scoped3A : memref<!tpu.dma_semaphore, #tpu.memory_space<semaphore_mem>>)
        %dma_wait3A_78 = arith.constant 9984 : i32
        %dma_wait3A_79 = arith.constant 0 : i32
        %dma_wait3A_80 = tpu.memref_slice %arg11[%dma_wait3A_78, %dma_wait3A_79] : memref<10000x128xf32, #tpu.memory_space<vmem_shared>> -> memref<16x128xf32, #tpu.memory_space<vmem_shared>>
        %dma_wait3A_81 = arith.constant 0 : i32
        %dma_wait3A_82 = arith.constant 0 : i32
        %dma_wait3A_83 = tpu.memref_slice %arg5[%dma_wait3A_81, %dma_wait3A_82] : memref<624x128xf32, #tpu.memory_space<hbm>> -> memref<16x128xf32, #tpu.memory_space<hbm>>
        tpu.wait_dma2 semaphore(%run_scoped3A : memref<!tpu.dma_semaphore, #tpu.memory_space<semaphore_mem>>) src(%dma_wait3A_83 : memref<16x128xf32, #tpu.memory_space<hbm>>) dst(%dma_wait3A_80 : memref<16x128xf32, #tpu.memory_space<vmem_shared>>)
        tpu.yield
      }) : () -> ()
    } else {
    }
    %barrier3A = arith.constant 0 : index
    tpu.barrier barrier_id(%barrier3A)
    %dma_wait3A = arith.constant 0 : i32
    %dma_wait3A_14 = tpu.memref_slice %arg3[%mul3A_2, %dma_wait3A] : memref<2560x125xi32, #tpu.memory_space<hbm>> -> memref<40x125xi32, #tpu.memory_space<hbm>>
    %dma_wait3A_15 = arith.constant 0 : i32
    %dma_wait3A_16 = tpu.memref_slice %arg3[%mul3A_2, %dma_wait3A_15] : memref<2560x125xi32, #tpu.memory_space<hbm>> -> memref<40x125xi32, #tpu.memory_space<hbm>>
    tpu.wait_dma2 semaphore(%arg12 : memref<!tpu.dma_semaphore, #tpu.memory_space<semaphore_mem>>) src(%dma_wait3A_16 : memref<40x125xi32, #tpu.memory_space<hbm>>) dst(%arg7 : memref<40x125xi32, #tpu.memory_space<vmem>>)
    %dma_wait3A_17 = arith.constant 0 : i32
    %dma_wait3A_18 = tpu.memref_slice %arg4[%mul3A_2, %dma_wait3A_17] : memref<2560x125xi32, #tpu.memory_space<hbm>> -> memref<40x125xi32, #tpu.memory_space<hbm>>
    %dma_wait3A_19 = arith.constant 0 : i32
    %dma_wait3A_20 = tpu.memref_slice %arg4[%mul3A_2, %dma_wait3A_19] : memref<2560x125xi32, #tpu.memory_space<hbm>> -> memref<40x125xi32, #tpu.memory_space<hbm>>
    tpu.wait_dma2 semaphore(%arg13 : memref<!tpu.dma_semaphore, #tpu.memory_space<semaphore_mem>>) src(%dma_wait3A_20 : memref<40x125xi32, #tpu.memory_space<hbm>>) dst(%arg8 : memref<40x125xi32, #tpu.memory_space<vmem>>)
    %dma_start3A_21 = arith.constant 0 : i32
    %dma_start3A_22 = arith.constant 0 : i32
    %dma_start3A_23 = tpu.memref_slice %arg7[%dma_start3A_21, %dma_start3A_22] : memref<40x125xi32, #tpu.memory_space<vmem>> -> memref<1x125xi32, #tpu.memory_space<vmem>>
    %dma_start3A_24 = tpu.memref_squeeze %dma_start3A_23 : memref<1x125xi32, #tpu.memory_space<vmem>> -> memref<125xi32, #tpu.memory_space<vmem>>
    %dma_start3A_25 = arith.constant 0 : i32
    %dma_start3A_26 = arith.constant 0 : i32
    %dma_start3A_27 = tpu.memref_slice %arg2[%dma_start3A_25, %dma_start3A_26] : memref<10000x128xf32, #tpu.memory_space<hbm>> -> memref<10000x128xf32, #tpu.memory_space<hbm>>
    tpu.enqueue_indirect_dma source(%dma_start3A_27 : memref<10000x128xf32, #tpu.memory_space<hbm>>) target(%arg9 : memref<125x128xf32, #tpu.memory_space<vmem>>) offsets(%dma_start3A_24 : memref<125xi32, #tpu.memory_space<vmem>>) semaphore(%arg12 : memref<!tpu.dma_semaphore, #tpu.memory_space<semaphore_mem>>)
    %dma_start3A_28 = arith.constant 1 : i32
    %dma_start3A_29 = arith.constant 0 : i32
    %dma_start3A_30 = tpu.memref_slice %arg7[%dma_start3A_28, %dma_start3A_29] : memref<40x125xi32, #tpu.memory_space<vmem>> -> memref<1x125xi32, #tpu.memory_space<vmem>>
    %dma_start3A_31 = tpu.memref_squeeze %dma_start3A_30 : memref<1x125xi32, #tpu.memory_space<vmem>> -> memref<125xi32, #tpu.memory_space<vmem>>
    %dma_start3A_32 = arith.constant 0 : i32
    %dma_start3A_33 = arith.constant 0 : i32
    %dma_start3A_34 = tpu.memref_slice %arg2[%dma_start3A_32, %dma_start3A_33] : memref<10000x128xf32, #tpu.memory_space<hbm>> -> memref<10000x128xf32, #tpu.memory_space<hbm>>
    tpu.enqueue_indirect_dma source(%dma_start3A_34 : memref<10000x128xf32, #tpu.memory_space<hbm>>) target(%arg10 : memref<125x128xf32, #tpu.memory_space<vmem>>) offsets(%dma_start3A_31 : memref<125xi32, #tpu.memory_space<vmem>>) semaphore(%arg13 : memref<!tpu.dma_semaphore, #tpu.memory_space<semaphore_mem>>)
    %scan3A = arith.constant 0 : i32
    %scan3A_35 = arith.constant 4 : i32
    %scan3A_36 = arith.addi %scan3A, %scan3A_35 : i32
    %scan3A_37 = arith.constant 1 : i32
    scf.for %scan3A_72 = %scan3A to %scan3A_36 step %scan3A_37  : i32 {
      %mul3A_73 = arith.constant 10 : i32
      %mul3A_74 = arith.muli %scan3A_72, %mul3A_73 : i32
      %add3A_75 = arith.constant 0 : i32
      %add3A_76 = arith.addi %add3A_75, %mul3A_74 : i32
      %add3A_77 = arith.constant 0 : i32
      %add3A_78 = arith.addi %add3A_76, %add3A_77 : i32
      %dma_wait3A_79 = arith.constant 0 : i32
      %dma_wait3A_80 = tpu.memref_slice %arg7[%add3A_78, %dma_wait3A_79] : memref<40x125xi32, #tpu.memory_space<vmem>> -> memref<1x125xi32, #tpu.memory_space<vmem>>
      %dma_wait3A_81 = tpu.memref_squeeze %dma_wait3A_80 : memref<1x125xi32, #tpu.memory_space<vmem>> -> memref<125xi32, #tpu.memory_space<vmem>>
      %dma_wait3A_82 = arith.constant 0 : i32
      %dma_wait3A_83 = arith.constant 0 : i32
      %dma_wait3A_84 = tpu.memref_slice %arg2[%dma_wait3A_82, %dma_wait3A_83] : memref<10000x128xf32, #tpu.memory_space<hbm>> -> memref<10000x128xf32, #tpu.memory_space<hbm>>
      tpu.wait_indirect_dma semaphore(%arg12 : memref<!tpu.dma_semaphore, #tpu.memory_space<semaphore_mem>>) src(%dma_wait3A_84 : memref<10000x128xf32, #tpu.memory_space<hbm>>) dst(%arg9 : memref<125x128xf32, #tpu.memory_space<vmem>>)
      %add3A_85 = arith.constant 0 : i32
      %add3A_86 = arith.addi %add3A_76, %add3A_85 : i32
      "tpu.region"() ({
        %run_scoped3A = tpu.sem_alloc : memref<!tpu.dma_semaphore, #tpu.memory_space<semaphore_mem>>
        %dma_start3A_266 = arith.constant 0 : i32
        %dma_start3A_267 = tpu.memref_slice %arg8[%add3A_86, %dma_start3A_266] : memref<40x125xi32, #tpu.memory_space<vmem>> -> memref<1x125xi32, #tpu.memory_space<vmem>>
        %dma_start3A_268 = tpu.memref_squeeze %dma_start3A_267 : memref<1x125xi32, #tpu.memory_space<vmem>> -> memref<125xi32, #tpu.memory_space<vmem>>
        %dma_start3A_269 = arith.constant 0 : i32
        %dma_start3A_270 = arith.constant 0 : i32
        %dma_start3A_271 = tpu.memref_slice %arg11[%dma_start3A_269, %dma_start3A_270] : memref<10000x128xf32, #tpu.memory_space<vmem_shared>> -> memref<10000x128xf32, #tpu.memory_space<vmem_shared>>
        tpu.enqueue_indirect_dma source(%arg9 : memref<125x128xf32, #tpu.memory_space<vmem>>) target(%dma_start3A_271 : memref<10000x128xf32, #tpu.memory_space<vmem_shared>>) offsets(%dma_start3A_268 : memref<125xi32, #tpu.memory_space<vmem>>) semaphore(%run_scoped3A : memref<!tpu.dma_semaphore, #tpu.memory_space<semaphore_mem>>) {add = true}
        %dma_wait3A_272 = arith.constant 0 : i32
        %dma_wait3A_273 = tpu.memref_slice %arg8[%add3A_86, %dma_wait3A_272] : memref<40x125xi32, #tpu.memory_space<vmem>> -> memref<1x125xi32, #tpu.memory_space<vmem>>
        %dma_wait3A_274 = tpu.memref_squeeze %dma_wait3A_273 : memref<1x125xi32, #tpu.memory_space<vmem>> -> memref<125xi32, #tpu.memory_space<vmem>>
        %dma_wait3A_275 = arith.constant 0 : i32
        %dma_wait3A_276 = arith.constant 0 : i32
        %dma_wait3A_277 = tpu.memref_slice %arg11[%dma_wait3A_275, %dma_wait3A_276] : memref<10000x128xf32, #tpu.memory_space<vmem_shared>> -> memref<10000x128xf32, #tpu.memory_space<vmem_shared>>
        tpu.wait_indirect_dma semaphore(%run_scoped3A : memref<!tpu.dma_semaphore, #tpu.memory_space<semaphore_mem>>) src(%arg9 : memref<125x128xf32, #tpu.memory_space<vmem>>) dst(%dma_wait3A_277 : memref<10000x128xf32, #tpu.memory_space<vmem_shared>>)
        tpu.yield
      }) : () -> ()
      %add3A_87 = arith.constant 0 : i32
      %add3A_88 = arith.addi %add3A_76, %add3A_87 : i32
      %add3A_89 = arith.constant 2 : i32
      %add3A_90 = arith.addi %add3A_88, %add3A_89 : i32
      %lt3A = arith.constant 40 : i32
      %lt3A_91 = arith.cmpi slt, %add3A_90, %lt3A : i32
      %convert_element_type3A_92 = arith.extui %lt3A_91 : i1 to i32
      %cond3A_93 = arith.constant 0 : i32
      %cond3A_94 = arith.cmpi ne, %convert_element_type3A_92, %cond3A_93 : i32
      scf.if %cond3A_94 {
        %dma_start3A_266 = arith.constant 0 : i32
        %dma_start3A_267 = tpu.memref_slice %arg7[%add3A_90, %dma_start3A_266] : memref<40x125xi32, #tpu.memory_space<vmem>> -> memref<1x125xi32, #tpu.memory_space<vmem>>
        %dma_start3A_268 = tpu.memref_squeeze %dma_start3A_267 : memref<1x125xi32, #tpu.memory_space<vmem>> -> memref<125xi32, #tpu.memory_space<vmem>>
        %dma_start3A_269 = arith.constant 0 : i32
        %dma_start3A_270 = arith.constant 0 : i32
        %dma_start3A_271 = tpu.memref_slice %arg2[%dma_start3A_269, %dma_start3A_270] : memref<10000x128xf32, #tpu.memory_space<hbm>> -> memref<10000x128xf32, #tpu.memory_space<hbm>>
        tpu.enqueue_indirect_dma source(%dma_start3A_271 : memref<10000x128xf32, #tpu.memory_space<hbm>>) target(%arg9 : memref<125x128xf32, #tpu.memory_space<vmem>>) offsets(%dma_start3A_268 : memref<125xi32, #tpu.memory_space<vmem>>) semaphore(%arg12 : memref<!tpu.dma_semaphore, #tpu.memory_space<semaphore_mem>>)
      } else {
      }
      %add3A_95 = arith.constant 1 : i32
      %add3A_96 = arith.addi %add3A_76, %add3A_95 : i32
      %dma_wait3A_97 = arith.constant 0 : i32
      %dma_wait3A_98 = tpu.memref_slice %arg7[%add3A_96, %dma_wait3A_97] : memref<40x125xi32, #tpu.memory_space<vmem>> -> memref<1x125xi32, #tpu.memory_space<vmem>>
      %dma_wait3A_99 = tpu.memref_squeeze %dma_wait3A_98 : memref<1x125xi32, #tpu.memory_space<vmem>> -> memref<125xi32, #tpu.memory_space<vmem>>
      %dma_wait3A_100 = arith.constant 0 : i32
      %dma_wait3A_101 = arith.constant 0 : i32
      %dma_wait3A_102 = tpu.memref_slice %arg2[%dma_wait3A_100, %dma_wait3A_101] : memref<10000x128xf32, #tpu.memory_space<hbm>> -> memref<10000x128xf32, #tpu.memory_space<hbm>>
      tpu.wait_indirect_dma semaphore(%arg13 : memref<!tpu.dma_semaphore, #tpu.memory_space<semaphore_mem>>) src(%dma_wait3A_102 : memref<10000x128xf32, #tpu.memory_space<hbm>>) dst(%arg10 : memref<125x128xf32, #tpu.memory_space<vmem>>)
      %add3A_103 = arith.constant 1 : i32
      %add3A_104 = arith.addi %add3A_76, %add3A_103 : i32
      "tpu.region"() ({
        %run_scoped3A = tpu.sem_alloc : memref<!tpu.dma_semaphore, #tpu.memory_space<semaphore_mem>>
        %dma_start3A_266 = arith.constant 0 : i32
        %dma_start3A_267 = tpu.memref_slice %arg8[%add3A_104, %dma_start3A_266] : memref<40x125xi32, #tpu.memory_space<vmem>> -> memref<1x125xi32, #tpu.memory_space<vmem>>
        %dma_start3A_268 = tpu.memref_squeeze %dma_start3A_267 : memref<1x125xi32, #tpu.memory_space<vmem>> -> memref<125xi32, #tpu.memory_space<vmem>>
        %dma_start3A_269 = arith.constant 0 : i32
        %dma_start3A_270 = arith.constant 0 : i32
        %dma_start3A_271 = tpu.memref_slice %arg11[%dma_start3A_269, %dma_start3A_270] : memref<10000x128xf32, #tpu.memory_space<vmem_shared>> -> memref<10000x128xf32, #tpu.memory_space<vmem_shared>>
        tpu.enqueue_indirect_dma source(%arg10 : memref<125x128xf32, #tpu.memory_space<vmem>>) target(%dma_start3A_271 : memref<10000x128xf32, #tpu.memory_space<vmem_shared>>) offsets(%dma_start3A_268 : memref<125xi32, #tpu.memory_space<vmem>>) semaphore(%run_scoped3A : memref<!tpu.dma_semaphore, #tpu.memory_space<semaphore_mem>>) {add = true}
        %dma_wait3A_272 = arith.constant 0 : i32
        %dma_wait3A_273 = tpu.memref_slice %arg8[%add3A_104, %dma_wait3A_272] : memref<40x125xi32, #tpu.memory_space<vmem>> -> memref<1x125xi32, #tpu.memory_space<vmem>>
        %dma_wait3A_274 = tpu.memref_squeeze %dma_wait3A_273 : memref<1x125xi32, #tpu.memory_space<vmem>> -> memref<125xi32, #tpu.memory_space<vmem>>
        %dma_wait3A_275 = arith.constant 0 : i32
        %dma_wait3A_276 = arith.constant 0 : i32
        %dma_wait3A_277 = tpu.memref_slice %arg11[%dma_wait3A_275, %dma_wait3A_276] : memref<10000x128xf32, #tpu.memory_space<vmem_shared>> -> memref<10000x128xf32, #tpu.memory_space<vmem_shared>>
        tpu.wait_indirect_dma semaphore(%run_scoped3A : memref<!tpu.dma_semaphore, #tpu.memory_space<semaphore_mem>>) src(%arg10 : memref<125x128xf32, #tpu.memory_space<vmem>>) dst(%dma_wait3A_277 : memref<10000x128xf32, #tpu.memory_space<vmem_shared>>)
        tpu.yield
      }) : () -> ()
      %add3A_105 = arith.constant 1 : i32
      %add3A_106 = arith.addi %add3A_76, %add3A_105 : i32
      %add3A_107 = arith.constant 2 : i32
      %add3A_108 = arith.addi %add3A_106, %add3A_107 : i32
      %lt3A_109 = arith.constant 40 : i32
      %lt3A_110 = arith.cmpi slt, %add3A_108, %lt3A_109 : i32
      %convert_element_type3A_111 = arith.extui %lt3A_110 : i1 to i32
      %cond3A_112 = arith.constant 0 : i32
      %cond3A_113 = arith.cmpi ne, %convert_element_type3A_111, %cond3A_112 : i32
      scf.if %cond3A_113 {
        %dma_start3A_266 = arith.constant 0 : i32
        %dma_start3A_267 = tpu.memref_slice %arg7[%add3A_108, %dma_start3A_266] : memref<40x125xi32, #tpu.memory_space<vmem>> -> memref<1x125xi32, #tpu.memory_space<vmem>>
        %dma_start3A_268 = tpu.memref_squeeze %dma_start3A_267 : memref<1x125xi32, #tpu.memory_space<vmem>> -> memref<125xi32, #tpu.memory_space<vmem>>
        %dma_start3A_269 = arith.constant 0 : i32
        %dma_start3A_270 = arith.constant 0 : i32
        %dma_start3A_271 = tpu.memref_slice %arg2[%dma_start3A_269, %dma_start3A_270] : memref<10000x128xf32, #tpu.memory_space<hbm>> -> memref<10000x128xf32, #tpu.memory_space<hbm>>
        tpu.enqueue_indirect_dma source(%dma_start3A_271 : memref<10000x128xf32, #tpu.memory_space<hbm>>) target(%arg10 : memref<125x128xf32, #tpu.memory_space<vmem>>) offsets(%dma_start3A_268 : memref<125xi32, #tpu.memory_space<vmem>>) semaphore(%arg13 : memref<!tpu.dma_semaphore, #tpu.memory_space<semaphore_mem>>)
      } else {
      }
      %add3A_114 = arith.constant 2 : i32
      %add3A_115 = arith.addi %add3A_76, %add3A_114 : i32
      %dma_wait3A_116 = arith.constant 0 : i32
      %dma_wait3A_117 = tpu.memref_slice %arg7[%add3A_115, %dma_wait3A_116] : memref<40x125xi32, #tpu.memory_space<vmem>> -> memref<1x125xi32, #tpu.memory_space<vmem>>
      %dma_wait3A_118 = tpu.memref_squeeze %dma_wait3A_117 : memref<1x125xi32, #tpu.memory_space<vmem>> -> memref<125xi32, #tpu.memory_space<vmem>>
      %dma_wait3A_119 = arith.constant 0 : i32
      %dma_wait3A_120 = arith.constant 0 : i32
      %dma_wait3A_121 = tpu.memref_slice %arg2[%dma_wait3A_119, %dma_wait3A_120] : memref<10000x128xf32, #tpu.memory_space<hbm>> -> memref<10000x128xf32, #tpu.memory_space<hbm>>
      tpu.wait_indirect_dma semaphore(%arg12 : memref<!tpu.dma_semaphore, #tpu.memory_space<semaphore_mem>>) src(%dma_wait3A_121 : memref<10000x128xf32, #tpu.memory_space<hbm>>) dst(%arg9 : memref<125x128xf32, #tpu.memory_space<vmem>>)
      %add3A_122 = arith.constant 2 : i32
      %add3A_123 = arith.addi %add3A_76, %add3A_122 : i32
      "tpu.region"() ({
        %run_scoped3A = tpu.sem_alloc : memref<!tpu.dma_semaphore, #tpu.memory_space<semaphore_mem>>
        %dma_start3A_266 = arith.constant 0 : i32
        %dma_start3A_267 = tpu.memref_slice %arg8[%add3A_123, %dma_start3A_266] : memref<40x125xi32, #tpu.memory_space<vmem>> -> memref<1x125xi32, #tpu.memory_space<vmem>>
        %dma_start3A_268 = tpu.memref_squeeze %dma_start3A_267 : memref<1x125xi32, #tpu.memory_space<vmem>> -> memref<125xi32, #tpu.memory_space<vmem>>
        %dma_start3A_269 = arith.constant 0 : i32
        %dma_start3A_270 = arith.constant 0 : i32
        %dma_start3A_271 = tpu.memref_slice %arg11[%dma_start3A_269, %dma_start3A_270] : memref<10000x128xf32, #tpu.memory_space<vmem_shared>> -> memref<10000x128xf32, #tpu.memory_space<vmem_shared>>
        tpu.enqueue_indirect_dma source(%arg9 : memref<125x128xf32, #tpu.memory_space<vmem>>) target(%dma_start3A_271 : memref<10000x128xf32, #tpu.memory_space<vmem_shared>>) offsets(%dma_start3A_268 : memref<125xi32, #tpu.memory_space<vmem>>) semaphore(%run_scoped3A : memref<!tpu.dma_semaphore, #tpu.memory_space<semaphore_mem>>) {add = true}
        %dma_wait3A_272 = arith.constant 0 : i32
        %dma_wait3A_273 = tpu.memref_slice %arg8[%add3A_123, %dma_wait3A_272] : memref<40x125xi32, #tpu.memory_space<vmem>> -> memref<1x125xi32, #tpu.memory_space<vmem>>
        %dma_wait3A_274 = tpu.memref_squeeze %dma_wait3A_273 : memref<1x125xi32, #tpu.memory_space<vmem>> -> memref<125xi32, #tpu.memory_space<vmem>>
        %dma_wait3A_275 = arith.constant 0 : i32
        %dma_wait3A_276 = arith.constant 0 : i32
        %dma_wait3A_277 = tpu.memref_slice %arg11[%dma_wait3A_275, %dma_wait3A_276] : memref<10000x128xf32, #tpu.memory_space<vmem_shared>> -> memref<10000x128xf32, #tpu.memory_space<vmem_shared>>
        tpu.wait_indirect_dma semaphore(%run_scoped3A : memref<!tpu.dma_semaphore, #tpu.memory_space<semaphore_mem>>) src(%arg9 : memref<125x128xf32, #tpu.memory_space<vmem>>) dst(%dma_wait3A_277 : memref<10000x128xf32, #tpu.memory_space<vmem_shared>>)
        tpu.yield
      }) : () -> ()
      %add3A_124 = arith.constant 2 : i32
      %add3A_125 = arith.addi %add3A_76, %add3A_124 : i32
      %add3A_126 = arith.constant 2 : i32
      %add3A_127 = arith.addi %add3A_125, %add3A_126 : i32
      %lt3A_128 = arith.constant 40 : i32
      %lt3A_129 = arith.cmpi slt, %add3A_127, %lt3A_128 : i32
      %convert_element_type3A_130 = arith.extui %lt3A_129 : i1 to i32
      %cond3A_131 = arith.constant 0 : i32
      %cond3A_132 = arith.cmpi ne, %convert_element_type3A_130, %cond3A_131 : i32
      scf.if %cond3A_132 {
        %dma_start3A_266 = arith.constant 0 : i32
        %dma_start3A_267 = tpu.memref_slice %arg7[%add3A_127, %dma_start3A_266] : memref<40x125xi32, #tpu.memory_space<vmem>> -> memref<1x125xi32, #tpu.memory_space<vmem>>
        %dma_start3A_268 = tpu.memref_squeeze %dma_start3A_267 : memref<1x125xi32, #tpu.memory_space<vmem>> -> memref<125xi32, #tpu.memory_space<vmem>>
        %dma_start3A_269 = arith.constant 0 : i32
        %dma_start3A_270 = arith.constant 0 : i32
        %dma_start3A_271 = tpu.memref_slice %arg2[%dma_start3A_269, %dma_start3A_270] : memref<10000x128xf32, #tpu.memory_space<hbm>> -> memref<10000x128xf32, #tpu.memory_space<hbm>>
        tpu.enqueue_indirect_dma source(%dma_start3A_271 : memref<10000x128xf32, #tpu.memory_space<hbm>>) target(%arg9 : memref<125x128xf32, #tpu.memory_space<vmem>>) offsets(%dma_start3A_268 : memref<125xi32, #tpu.memory_space<vmem>>) semaphore(%arg12 : memref<!tpu.dma_semaphore, #tpu.memory_space<semaphore_mem>>)
      } else {
      }
      %add3A_133 = arith.constant 3 : i32
      %add3A_134 = arith.addi %add3A_76, %add3A_133 : i32
      %dma_wait3A_135 = arith.constant 0 : i32
      %dma_wait3A_136 = tpu.memref_slice %arg7[%add3A_134, %dma_wait3A_135] : memref<40x125xi32, #tpu.memory_space<vmem>> -> memref<1x125xi32, #tpu.memory_space<vmem>>
      %dma_wait3A_137 = tpu.memref_squeeze %dma_wait3A_136 : memref<1x125xi32, #tpu.memory_space<vmem>> -> memref<125xi32, #tpu.memory_space<vmem>>
      %dma_wait3A_138 = arith.constant 0 : i32
      %dma_wait3A_139 = arith.constant 0 : i32
      %dma_wait3A_140 = tpu.memref_slice %arg2[%dma_wait3A_138, %dma_wait3A_139] : memref<10000x128xf32, #tpu.memory_space<hbm>> -> memref<10000x128xf32, #tpu.memory_space<hbm>>
      tpu.wait_indirect_dma semaphore(%arg13 : memref<!tpu.dma_semaphore, #tpu.memory_space<semaphore_mem>>) src(%dma_wait3A_140 : memref<10000x128xf32, #tpu.memory_space<hbm>>) dst(%arg10 : memref<125x128xf32, #tpu.memory_space<vmem>>)
      %add3A_141 = arith.constant 3 : i32
      %add3A_142 = arith.addi %add3A_76, %add3A_141 : i32
      "tpu.region"() ({
        %run_scoped3A = tpu.sem_alloc : memref<!tpu.dma_semaphore, #tpu.memory_space<semaphore_mem>>
        %dma_start3A_266 = arith.constant 0 : i32
        %dma_start3A_267 = tpu.memref_slice %arg8[%add3A_142, %dma_start3A_266] : memref<40x125xi32, #tpu.memory_space<vmem>> -> memref<1x125xi32, #tpu.memory_space<vmem>>
        %dma_start3A_268 = tpu.memref_squeeze %dma_start3A_267 : memref<1x125xi32, #tpu.memory_space<vmem>> -> memref<125xi32, #tpu.memory_space<vmem>>
        %dma_start3A_269 = arith.constant 0 : i32
        %dma_start3A_270 = arith.constant 0 : i32
        %dma_start3A_271 = tpu.memref_slice %arg11[%dma_start3A_269, %dma_start3A_270] : memref<10000x128xf32, #tpu.memory_space<vmem_shared>> -> memref<10000x128xf32, #tpu.memory_space<vmem_shared>>
        tpu.enqueue_indirect_dma source(%arg10 : memref<125x128xf32, #tpu.memory_space<vmem>>) target(%dma_start3A_271 : memref<10000x128xf32, #tpu.memory_space<vmem_shared>>) offsets(%dma_start3A_268 : memref<125xi32, #tpu.memory_space<vmem>>) semaphore(%run_scoped3A : memref<!tpu.dma_semaphore, #tpu.memory_space<semaphore_mem>>) {add = true}
        %dma_wait3A_272 = arith.constant 0 : i32
        %dma_wait3A_273 = tpu.memref_slice %arg8[%add3A_142, %dma_wait3A_272] : memref<40x125xi32, #tpu.memory_space<vmem>> -> memref<1x125xi32, #tpu.memory_space<vmem>>
        %dma_wait3A_274 = tpu.memref_squeeze %dma_wait3A_273 : memref<1x125xi32, #tpu.memory_space<vmem>> -> memref<125xi32, #tpu.memory_space<vmem>>
        %dma_wait3A_275 = arith.constant 0 : i32
        %dma_wait3A_276 = arith.constant 0 : i32
        %dma_wait3A_277 = tpu.memref_slice %arg11[%dma_wait3A_275, %dma_wait3A_276] : memref<10000x128xf32, #tpu.memory_space<vmem_shared>> -> memref<10000x128xf32, #tpu.memory_space<vmem_shared>>
        tpu.wait_indirect_dma semaphore(%run_scoped3A : memref<!tpu.dma_semaphore, #tpu.memory_space<semaphore_mem>>) src(%arg10 : memref<125x128xf32, #tpu.memory_space<vmem>>) dst(%dma_wait3A_277 : memref<10000x128xf32, #tpu.memory_space<vmem_shared>>)
        tpu.yield
      }) : () -> ()
      %add3A_143 = arith.constant 3 : i32
      %add3A_144 = arith.addi %add3A_76, %add3A_143 : i32
      %add3A_145 = arith.constant 2 : i32
      %add3A_146 = arith.addi %add3A_144, %add3A_145 : i32
      %lt3A_147 = arith.constant 40 : i32
      %lt3A_148 = arith.cmpi slt, %add3A_146, %lt3A_147 : i32
      %convert_element_type3A_149 = arith.extui %lt3A_148 : i1 to i32
      %cond3A_150 = arith.constant 0 : i32
      %cond3A_151 = arith.cmpi ne, %convert_element_type3A_149, %cond3A_150 : i32
      scf.if %cond3A_151 {
        %dma_start3A_266 = arith.constant 0 : i32
        %dma_start3A_267 = tpu.memref_slice %arg7[%add3A_146, %dma_start3A_266] : memref<40x125xi32, #tpu.memory_space<vmem>> -> memref<1x125xi32, #tpu.memory_space<vmem>>
        %dma_start3A_268 = tpu.memref_squeeze %dma_start3A_267 : memref<1x125xi32, #tpu.memory_space<vmem>> -> memref<125xi32, #tpu.memory_space<vmem>>
        %dma_start3A_269 = arith.constant 0 : i32
        %dma_start3A_270 = arith.constant 0 : i32
        %dma_start3A_271 = tpu.memref_slice %arg2[%dma_start3A_269, %dma_start3A_270] : memref<10000x128xf32, #tpu.memory_space<hbm>> -> memref<10000x128xf32, #tpu.memory_space<hbm>>
        tpu.enqueue_indirect_dma source(%dma_start3A_271 : memref<10000x128xf32, #tpu.memory_space<hbm>>) target(%arg10 : memref<125x128xf32, #tpu.memory_space<vmem>>) offsets(%dma_start3A_268 : memref<125xi32, #tpu.memory_space<vmem>>) semaphore(%arg13 : memref<!tpu.dma_semaphore, #tpu.memory_space<semaphore_mem>>)
      } else {
      }
      %add3A_152 = arith.constant 4 : i32
      %add3A_153 = arith.addi %add3A_76, %add3A_152 : i32
      %dma_wait3A_154 = arith.constant 0 : i32
      %dma_wait3A_155 = tpu.memref_slice %arg7[%add3A_153, %dma_wait3A_154] : memref<40x125xi32, #tpu.memory_space<vmem>> -> memref<1x125xi32, #tpu.memory_space<vmem>>
      %dma_wait3A_156 = tpu.memref_squeeze %dma_wait3A_155 : memref<1x125xi32, #tpu.memory_space<vmem>> -> memref<125xi32, #tpu.memory_space<vmem>>
      %dma_wait3A_157 = arith.constant 0 : i32
      %dma_wait3A_158 = arith.constant 0 : i32
      %dma_wait3A_159 = tpu.memref_slice %arg2[%dma_wait3A_157, %dma_wait3A_158] : memref<10000x128xf32, #tpu.memory_space<hbm>> -> memref<10000x128xf32, #tpu.memory_space<hbm>>
      tpu.wait_indirect_dma semaphore(%arg12 : memref<!tpu.dma_semaphore, #tpu.memory_space<semaphore_mem>>) src(%dma_wait3A_159 : memref<10000x128xf32, #tpu.memory_space<hbm>>) dst(%arg9 : memref<125x128xf32, #tpu.memory_space<vmem>>)
      %add3A_160 = arith.constant 4 : i32
      %add3A_161 = arith.addi %add3A_76, %add3A_160 : i32
      "tpu.region"() ({
        %run_scoped3A = tpu.sem_alloc : memref<!tpu.dma_semaphore, #tpu.memory_space<semaphore_mem>>
        %dma_start3A_266 = arith.constant 0 : i32
        %dma_start3A_267 = tpu.memref_slice %arg8[%add3A_161, %dma_start3A_266] : memref<40x125xi32, #tpu.memory_space<vmem>> -> memref<1x125xi32, #tpu.memory_space<vmem>>
        %dma_start3A_268 = tpu.memref_squeeze %dma_start3A_267 : memref<1x125xi32, #tpu.memory_space<vmem>> -> memref<125xi32, #tpu.memory_space<vmem>>
        %dma_start3A_269 = arith.constant 0 : i32
        %dma_start3A_270 = arith.constant 0 : i32
        %dma_start3A_271 = tpu.memref_slice %arg11[%dma_start3A_269, %dma_start3A_270] : memref<10000x128xf32, #tpu.memory_space<vmem_shared>> -> memref<10000x128xf32, #tpu.memory_space<vmem_shared>>
        tpu.enqueue_indirect_dma source(%arg9 : memref<125x128xf32, #tpu.memory_space<vmem>>) target(%dma_start3A_271 : memref<10000x128xf32, #tpu.memory_space<vmem_shared>>) offsets(%dma_start3A_268 : memref<125xi32, #tpu.memory_space<vmem>>) semaphore(%run_scoped3A : memref<!tpu.dma_semaphore, #tpu.memory_space<semaphore_mem>>) {add = true}
        %dma_wait3A_272 = arith.constant 0 : i32
        %dma_wait3A_273 = tpu.memref_slice %arg8[%add3A_161, %dma_wait3A_272] : memref<40x125xi32, #tpu.memory_space<vmem>> -> memref<1x125xi32, #tpu.memory_space<vmem>>
        %dma_wait3A_274 = tpu.memref_squeeze %dma_wait3A_273 : memref<1x125xi32, #tpu.memory_space<vmem>> -> memref<125xi32, #tpu.memory_space<vmem>>
        %dma_wait3A_275 = arith.constant 0 : i32
        %dma_wait3A_276 = arith.constant 0 : i32
        %dma_wait3A_277 = tpu.memref_slice %arg11[%dma_wait3A_275, %dma_wait3A_276] : memref<10000x128xf32, #tpu.memory_space<vmem_shared>> -> memref<10000x128xf32, #tpu.memory_space<vmem_shared>>
        tpu.wait_indirect_dma semaphore(%run_scoped3A : memref<!tpu.dma_semaphore, #tpu.memory_space<semaphore_mem>>) src(%arg9 : memref<125x128xf32, #tpu.memory_space<vmem>>) dst(%dma_wait3A_277 : memref<10000x128xf32, #tpu.memory_space<vmem_shared>>)
        tpu.yield
      }) : () -> ()
      %add3A_162 = arith.constant 4 : i32
      %add3A_163 = arith.addi %add3A_76, %add3A_162 : i32
      %add3A_164 = arith.constant 2 : i32
      %add3A_165 = arith.addi %add3A_163, %add3A_164 : i32
      %lt3A_166 = arith.constant 40 : i32
      %lt3A_167 = arith.cmpi slt, %add3A_165, %lt3A_166 : i32
      %convert_element_type3A_168 = arith.extui %lt3A_167 : i1 to i32
      %cond3A_169 = arith.constant 0 : i32
      %cond3A_170 = arith.cmpi ne, %convert_element_type3A_168, %cond3A_169 : i32
      scf.if %cond3A_170 {
        %dma_start3A_266 = arith.constant 0 : i32
        %dma_start3A_267 = tpu.memref_slice %arg7[%add3A_165, %dma_start3A_266] : memref<40x125xi32, #tpu.memory_space<vmem>> -> memref<1x125xi32, #tpu.memory_space<vmem>>
        %dma_start3A_268 = tpu.memref_squeeze %dma_start3A_267 : memref<1x125xi32, #tpu.memory_space<vmem>> -> memref<125xi32, #tpu.memory_space<vmem>>
        %dma_start3A_269 = arith.constant 0 : i32
        %dma_start3A_270 = arith.constant 0 : i32
        %dma_start3A_271 = tpu.memref_slice %arg2[%dma_start3A_269, %dma_start3A_270] : memref<10000x128xf32, #tpu.memory_space<hbm>> -> memref<10000x128xf32, #tpu.memory_space<hbm>>
        tpu.enqueue_indirect_dma source(%dma_start3A_271 : memref<10000x128xf32, #tpu.memory_space<hbm>>) target(%arg9 : memref<125x128xf32, #tpu.memory_space<vmem>>) offsets(%dma_start3A_268 : memref<125xi32, #tpu.memory_space<vmem>>) semaphore(%arg12 : memref<!tpu.dma_semaphore, #tpu.memory_space<semaphore_mem>>)
      } else {
      }
      %add3A_171 = arith.constant 5 : i32
      %add3A_172 = arith.addi %add3A_76, %add3A_171 : i32
      %dma_wait3A_173 = arith.constant 0 : i32
      %dma_wait3A_174 = tpu.memref_slice %arg7[%add3A_172, %dma_wait3A_173] : memref<40x125xi32, #tpu.memory_space<vmem>> -> memref<1x125xi32, #tpu.memory_space<vmem>>
      %dma_wait3A_175 = tpu.memref_squeeze %dma_wait3A_174 : memref<1x125xi32, #tpu.memory_space<vmem>> -> memref<125xi32, #tpu.memory_space<vmem>>
      %dma_wait3A_176 = arith.constant 0 : i32
      %dma_wait3A_177 = arith.constant 0 : i32
      %dma_wait3A_178 = tpu.memref_slice %arg2[%dma_wait3A_176, %dma_wait3A_177] : memref<10000x128xf32, #tpu.memory_space<hbm>> -> memref<10000x128xf32, #tpu.memory_space<hbm>>
      tpu.wait_indirect_dma semaphore(%arg13 : memref<!tpu.dma_semaphore, #tpu.memory_space<semaphore_mem>>) src(%dma_wait3A_178 : memref<10000x128xf32, #tpu.memory_space<hbm>>) dst(%arg10 : memref<125x128xf32, #tpu.memory_space<vmem>>)
      %add3A_179 = arith.constant 5 : i32
      %add3A_180 = arith.addi %add3A_76, %add3A_179 : i32
      "tpu.region"() ({
        %run_scoped3A = tpu.sem_alloc : memref<!tpu.dma_semaphore, #tpu.memory_space<semaphore_mem>>
        %dma_start3A_266 = arith.constant 0 : i32
        %dma_start3A_267 = tpu.memref_slice %arg8[%add3A_180, %dma_start3A_266] : memref<40x125xi32, #tpu.memory_space<vmem>> -> memref<1x125xi32, #tpu.memory_space<vmem>>
        %dma_start3A_268 = tpu.memref_squeeze %dma_start3A_267 : memref<1x125xi32, #tpu.memory_space<vmem>> -> memref<125xi32, #tpu.memory_space<vmem>>
        %dma_start3A_269 = arith.constant 0 : i32
        %dma_start3A_270 = arith.constant 0 : i32
        %dma_start3A_271 = tpu.memref_slice %arg11[%dma_start3A_269, %dma_start3A_270] : memref<10000x128xf32, #tpu.memory_space<vmem_shared>> -> memref<10000x128xf32, #tpu.memory_space<vmem_shared>>
        tpu.enqueue_indirect_dma source(%arg10 : memref<125x128xf32, #tpu.memory_space<vmem>>) target(%dma_start3A_271 : memref<10000x128xf32, #tpu.memory_space<vmem_shared>>) offsets(%dma_start3A_268 : memref<125xi32, #tpu.memory_space<vmem>>) semaphore(%run_scoped3A : memref<!tpu.dma_semaphore, #tpu.memory_space<semaphore_mem>>) {add = true}
        %dma_wait3A_272 = arith.constant 0 : i32
        %dma_wait3A_273 = tpu.memref_slice %arg8[%add3A_180, %dma_wait3A_272] : memref<40x125xi32, #tpu.memory_space<vmem>> -> memref<1x125xi32, #tpu.memory_space<vmem>>
        %dma_wait3A_274 = tpu.memref_squeeze %dma_wait3A_273 : memref<1x125xi32, #tpu.memory_space<vmem>> -> memref<125xi32, #tpu.memory_space<vmem>>
        %dma_wait3A_275 = arith.constant 0 : i32
        %dma_wait3A_276 = arith.constant 0 : i32
        %dma_wait3A_277 = tpu.memref_slice %arg11[%dma_wait3A_275, %dma_wait3A_276] : memref<10000x128xf32, #tpu.memory_space<vmem_shared>> -> memref<10000x128xf32, #tpu.memory_space<vmem_shared>>
        tpu.wait_indirect_dma semaphore(%run_scoped3A : memref<!tpu.dma_semaphore, #tpu.memory_space<semaphore_mem>>) src(%arg10 : memref<125x128xf32, #tpu.memory_space<vmem>>) dst(%dma_wait3A_277 : memref<10000x128xf32, #tpu.memory_space<vmem_shared>>)
        tpu.yield
      }) : () -> ()
      %add3A_181 = arith.constant 5 : i32
      %add3A_182 = arith.addi %add3A_76, %add3A_181 : i32
      %add3A_183 = arith.constant 2 : i32
      %add3A_184 = arith.addi %add3A_182, %add3A_183 : i32
      %lt3A_185 = arith.constant 40 : i32
      %lt3A_186 = arith.cmpi slt, %add3A_184, %lt3A_185 : i32
      %convert_element_type3A_187 = arith.extui %lt3A_186 : i1 to i32
      %cond3A_188 = arith.constant 0 : i32
      %cond3A_189 = arith.cmpi ne, %convert_element_type3A_187, %cond3A_188 : i32
      scf.if %cond3A_189 {
        %dma_start3A_266 = arith.constant 0 : i32
        %dma_start3A_267 = tpu.memref_slice %arg7[%add3A_184, %dma_start3A_266] : memref<40x125xi32, #tpu.memory_space<vmem>> -> memref<1x125xi32, #tpu.memory_space<vmem>>
        %dma_start3A_268 = tpu.memref_squeeze %dma_start3A_267 : memref<1x125xi32, #tpu.memory_space<vmem>> -> memref<125xi32, #tpu.memory_space<vmem>>
        %dma_start3A_269 = arith.constant 0 : i32
        %dma_start3A_270 = arith.constant 0 : i32
        %dma_start3A_271 = tpu.memref_slice %arg2[%dma_start3A_269, %dma_start3A_270] : memref<10000x128xf32, #tpu.memory_space<hbm>> -> memref<10000x128xf32, #tpu.memory_space<hbm>>
        tpu.enqueue_indirect_dma source(%dma_start3A_271 : memref<10000x128xf32, #tpu.memory_space<hbm>>) target(%arg10 : memref<125x128xf32, #tpu.memory_space<vmem>>) offsets(%dma_start3A_268 : memref<125xi32, #tpu.memory_space<vmem>>) semaphore(%arg13 : memref<!tpu.dma_semaphore, #tpu.memory_space<semaphore_mem>>)
      } else {
      }
      %add3A_190 = arith.constant 6 : i32
      %add3A_191 = arith.addi %add3A_76, %add3A_190 : i32
      %dma_wait3A_192 = arith.constant 0 : i32
      %dma_wait3A_193 = tpu.memref_slice %arg7[%add3A_191, %dma_wait3A_192] : memref<40x125xi32, #tpu.memory_space<vmem>> -> memref<1x125xi32, #tpu.memory_space<vmem>>
      %dma_wait3A_194 = tpu.memref_squeeze %dma_wait3A_193 : memref<1x125xi32, #tpu.memory_space<vmem>> -> memref<125xi32, #tpu.memory_space<vmem>>
      %dma_wait3A_195 = arith.constant 0 : i32
      %dma_wait3A_196 = arith.constant 0 : i32
      %dma_wait3A_197 = tpu.memref_slice %arg2[%dma_wait3A_195, %dma_wait3A_196] : memref<10000x128xf32, #tpu.memory_space<hbm>> -> memref<10000x128xf32, #tpu.memory_space<hbm>>
      tpu.wait_indirect_dma semaphore(%arg12 : memref<!tpu.dma_semaphore, #tpu.memory_space<semaphore_mem>>) src(%dma_wait3A_197 : memref<10000x128xf32, #tpu.memory_space<hbm>>) dst(%arg9 : memref<125x128xf32, #tpu.memory_space<vmem>>)
      %add3A_198 = arith.constant 6 : i32
      %add3A_199 = arith.addi %add3A_76, %add3A_198 : i32
      "tpu.region"() ({
        %run_scoped3A = tpu.sem_alloc : memref<!tpu.dma_semaphore, #tpu.memory_space<semaphore_mem>>
        %dma_start3A_266 = arith.constant 0 : i32
        %dma_start3A_267 = tpu.memref_slice %arg8[%add3A_199, %dma_start3A_266] : memref<40x125xi32, #tpu.memory_space<vmem>> -> memref<1x125xi32, #tpu.memory_space<vmem>>
        %dma_start3A_268 = tpu.memref_squeeze %dma_start3A_267 : memref<1x125xi32, #tpu.memory_space<vmem>> -> memref<125xi32, #tpu.memory_space<vmem>>
        %dma_start3A_269 = arith.constant 0 : i32
        %dma_start3A_270 = arith.constant 0 : i32
        %dma_start3A_271 = tpu.memref_slice %arg11[%dma_start3A_269, %dma_start3A_270] : memref<10000x128xf32, #tpu.memory_space<vmem_shared>> -> memref<10000x128xf32, #tpu.memory_space<vmem_shared>>
        tpu.enqueue_indirect_dma source(%arg9 : memref<125x128xf32, #tpu.memory_space<vmem>>) target(%dma_start3A_271 : memref<10000x128xf32, #tpu.memory_space<vmem_shared>>) offsets(%dma_start3A_268 : memref<125xi32, #tpu.memory_space<vmem>>) semaphore(%run_scoped3A : memref<!tpu.dma_semaphore, #tpu.memory_space<semaphore_mem>>) {add = true}
        %dma_wait3A_272 = arith.constant 0 : i32
        %dma_wait3A_273 = tpu.memref_slice %arg8[%add3A_199, %dma_wait3A_272] : memref<40x125xi32, #tpu.memory_space<vmem>> -> memref<1x125xi32, #tpu.memory_space<vmem>>
        %dma_wait3A_274 = tpu.memref_squeeze %dma_wait3A_273 : memref<1x125xi32, #tpu.memory_space<vmem>> -> memref<125xi32, #tpu.memory_space<vmem>>
        %dma_wait3A_275 = arith.constant 0 : i32
        %dma_wait3A_276 = arith.constant 0 : i32
        %dma_wait3A_277 = tpu.memref_slice %arg11[%dma_wait3A_275, %dma_wait3A_276] : memref<10000x128xf32, #tpu.memory_space<vmem_shared>> -> memref<10000x128xf32, #tpu.memory_space<vmem_shared>>
        tpu.wait_indirect_dma semaphore(%run_scoped3A : memref<!tpu.dma_semaphore, #tpu.memory_space<semaphore_mem>>) src(%arg9 : memref<125x128xf32, #tpu.memory_space<vmem>>) dst(%dma_wait3A_277 : memref<10000x128xf32, #tpu.memory_space<vmem_shared>>)
        tpu.yield
      }) : () -> ()
      %add3A_200 = arith.constant 6 : i32
      %add3A_201 = arith.addi %add3A_76, %add3A_200 : i32
      %add3A_202 = arith.constant 2 : i32
      %add3A_203 = arith.addi %add3A_201, %add3A_202 : i32
      %lt3A_204 = arith.constant 40 : i32
      %lt3A_205 = arith.cmpi slt, %add3A_203, %lt3A_204 : i32
      %convert_element_type3A_206 = arith.extui %lt3A_205 : i1 to i32
      %cond3A_207 = arith.constant 0 : i32
      %cond3A_208 = arith.cmpi ne, %convert_element_type3A_206, %cond3A_207 : i32
      scf.if %cond3A_208 {
        %dma_start3A_266 = arith.constant 0 : i32
        %dma_start3A_267 = tpu.memref_slice %arg7[%add3A_203, %dma_start3A_266] : memref<40x125xi32, #tpu.memory_space<vmem>> -> memref<1x125xi32, #tpu.memory_space<vmem>>
        %dma_start3A_268 = tpu.memref_squeeze %dma_start3A_267 : memref<1x125xi32, #tpu.memory_space<vmem>> -> memref<125xi32, #tpu.memory_space<vmem>>
        %dma_start3A_269 = arith.constant 0 : i32
        %dma_start3A_270 = arith.constant 0 : i32
        %dma_start3A_271 = tpu.memref_slice %arg2[%dma_start3A_269, %dma_start3A_270] : memref<10000x128xf32, #tpu.memory_space<hbm>> -> memref<10000x128xf32, #tpu.memory_space<hbm>>
        tpu.enqueue_indirect_dma source(%dma_start3A_271 : memref<10000x128xf32, #tpu.memory_space<hbm>>) target(%arg9 : memref<125x128xf32, #tpu.memory_space<vmem>>) offsets(%dma_start3A_268 : memref<125xi32, #tpu.memory_space<vmem>>) semaphore(%arg12 : memref<!tpu.dma_semaphore, #tpu.memory_space<semaphore_mem>>)
      } else {
      }
      %add3A_209 = arith.constant 7 : i32
      %add3A_210 = arith.addi %add3A_76, %add3A_209 : i32
      %dma_wait3A_211 = arith.constant 0 : i32
      %dma_wait3A_212 = tpu.memref_slice %arg7[%add3A_210, %dma_wait3A_211] : memref<40x125xi32, #tpu.memory_space<vmem>> -> memref<1x125xi32, #tpu.memory_space<vmem>>
      %dma_wait3A_213 = tpu.memref_squeeze %dma_wait3A_212 : memref<1x125xi32, #tpu.memory_space<vmem>> -> memref<125xi32, #tpu.memory_space<vmem>>
      %dma_wait3A_214 = arith.constant 0 : i32
      %dma_wait3A_215 = arith.constant 0 : i32
      %dma_wait3A_216 = tpu.memref_slice %arg2[%dma_wait3A_214, %dma_wait3A_215] : memref<10000x128xf32, #tpu.memory_space<hbm>> -> memref<10000x128xf32, #tpu.memory_space<hbm>>
      tpu.wait_indirect_dma semaphore(%arg13 : memref<!tpu.dma_semaphore, #tpu.memory_space<semaphore_mem>>) src(%dma_wait3A_216 : memref<10000x128xf32, #tpu.memory_space<hbm>>) dst(%arg10 : memref<125x128xf32, #tpu.memory_space<vmem>>)
      %add3A_217 = arith.constant 7 : i32
      %add3A_218 = arith.addi %add3A_76, %add3A_217 : i32
      "tpu.region"() ({
        %run_scoped3A = tpu.sem_alloc : memref<!tpu.dma_semaphore, #tpu.memory_space<semaphore_mem>>
        %dma_start3A_266 = arith.constant 0 : i32
        %dma_start3A_267 = tpu.memref_slice %arg8[%add3A_218, %dma_start3A_266] : memref<40x125xi32, #tpu.memory_space<vmem>> -> memref<1x125xi32, #tpu.memory_space<vmem>>
        %dma_start3A_268 = tpu.memref_squeeze %dma_start3A_267 : memref<1x125xi32, #tpu.memory_space<vmem>> -> memref<125xi32, #tpu.memory_space<vmem>>
        %dma_start3A_269 = arith.constant 0 : i32
        %dma_start3A_270 = arith.constant 0 : i32
        %dma_start3A_271 = tpu.memref_slice %arg11[%dma_start3A_269, %dma_start3A_270] : memref<10000x128xf32, #tpu.memory_space<vmem_shared>> -> memref<10000x128xf32, #tpu.memory_space<vmem_shared>>
        tpu.enqueue_indirect_dma source(%arg10 : memref<125x128xf32, #tpu.memory_space<vmem>>) target(%dma_start3A_271 : memref<10000x128xf32, #tpu.memory_space<vmem_shared>>) offsets(%dma_start3A_268 : memref<125xi32, #tpu.memory_space<vmem>>) semaphore(%run_scoped3A : memref<!tpu.dma_semaphore, #tpu.memory_space<semaphore_mem>>) {add = true}
        %dma_wait3A_272 = arith.constant 0 : i32
        %dma_wait3A_273 = tpu.memref_slice %arg8[%add3A_218, %dma_wait3A_272] : memref<40x125xi32, #tpu.memory_space<vmem>> -> memref<1x125xi32, #tpu.memory_space<vmem>>
        %dma_wait3A_274 = tpu.memref_squeeze %dma_wait3A_273 : memref<1x125xi32, #tpu.memory_space<vmem>> -> memref<125xi32, #tpu.memory_space<vmem>>
        %dma_wait3A_275 = arith.constant 0 : i32
        %dma_wait3A_276 = arith.constant 0 : i32
        %dma_wait3A_277 = tpu.memref_slice %arg11[%dma_wait3A_275, %dma_wait3A_276] : memref<10000x128xf32, #tpu.memory_space<vmem_shared>> -> memref<10000x128xf32, #tpu.memory_space<vmem_shared>>
        tpu.wait_indirect_dma semaphore(%run_scoped3A : memref<!tpu.dma_semaphore, #tpu.memory_space<semaphore_mem>>) src(%arg10 : memref<125x128xf32, #tpu.memory_space<vmem>>) dst(%dma_wait3A_277 : memref<10000x128xf32, #tpu.memory_space<vmem_shared>>)
        tpu.yield
      }) : () -> ()
      %add3A_219 = arith.constant 7 : i32
      %add3A_220 = arith.addi %add3A_76, %add3A_219 : i32
      %add3A_221 = arith.constant 2 : i32
      %add3A_222 = arith.addi %add3A_220, %add3A_221 : i32
      %lt3A_223 = arith.constant 40 : i32
      %lt3A_224 = arith.cmpi slt, %add3A_222, %lt3A_223 : i32
      %convert_element_type3A_225 = arith.extui %lt3A_224 : i1 to i32
      %cond3A_226 = arith.constant 0 : i32
      %cond3A_227 = arith.cmpi ne, %convert_element_type3A_225, %cond3A_226 : i32
      scf.if %cond3A_227 {
        %dma_start3A_266 = arith.constant 0 : i32
        %dma_start3A_267 = tpu.memref_slice %arg7[%add3A_222, %dma_start3A_266] : memref<40x125xi32, #tpu.memory_space<vmem>> -> memref<1x125xi32, #tpu.memory_space<vmem>>
        %dma_start3A_268 = tpu.memref_squeeze %dma_start3A_267 : memref<1x125xi32, #tpu.memory_space<vmem>> -> memref<125xi32, #tpu.memory_space<vmem>>
        %dma_start3A_269 = arith.constant 0 : i32
        %dma_start3A_270 = arith.constant 0 : i32
        %dma_start3A_271 = tpu.memref_slice %arg2[%dma_start3A_269, %dma_start3A_270] : memref<10000x128xf32, #tpu.memory_space<hbm>> -> memref<10000x128xf32, #tpu.memory_space<hbm>>
        tpu.enqueue_indirect_dma source(%dma_start3A_271 : memref<10000x128xf32, #tpu.memory_space<hbm>>) target(%arg10 : memref<125x128xf32, #tpu.memory_space<vmem>>) offsets(%dma_start3A_268 : memref<125xi32, #tpu.memory_space<vmem>>) semaphore(%arg13 : memref<!tpu.dma_semaphore, #tpu.memory_space<semaphore_mem>>)
      } else {
      }
      %add3A_228 = arith.constant 8 : i32
      %add3A_229 = arith.addi %add3A_76, %add3A_228 : i32
      %dma_wait3A_230 = arith.constant 0 : i32
      %dma_wait3A_231 = tpu.memref_slice %arg7[%add3A_229, %dma_wait3A_230] : memref<40x125xi32, #tpu.memory_space<vmem>> -> memref<1x125xi32, #tpu.memory_space<vmem>>
      %dma_wait3A_232 = tpu.memref_squeeze %dma_wait3A_231 : memref<1x125xi32, #tpu.memory_space<vmem>> -> memref<125xi32, #tpu.memory_space<vmem>>
      %dma_wait3A_233 = arith.constant 0 : i32
      %dma_wait3A_234 = arith.constant 0 : i32
      %dma_wait3A_235 = tpu.memref_slice %arg2[%dma_wait3A_233, %dma_wait3A_234] : memref<10000x128xf32, #tpu.memory_space<hbm>> -> memref<10000x128xf32, #tpu.memory_space<hbm>>
      tpu.wait_indirect_dma semaphore(%arg12 : memref<!tpu.dma_semaphore, #tpu.memory_space<semaphore_mem>>) src(%dma_wait3A_235 : memref<10000x128xf32, #tpu.memory_space<hbm>>) dst(%arg9 : memref<125x128xf32, #tpu.memory_space<vmem>>)
      %add3A_236 = arith.constant 8 : i32
      %add3A_237 = arith.addi %add3A_76, %add3A_236 : i32
      "tpu.region"() ({
        %run_scoped3A = tpu.sem_alloc : memref<!tpu.dma_semaphore, #tpu.memory_space<semaphore_mem>>
        %dma_start3A_266 = arith.constant 0 : i32
        %dma_start3A_267 = tpu.memref_slice %arg8[%add3A_237, %dma_start3A_266] : memref<40x125xi32, #tpu.memory_space<vmem>> -> memref<1x125xi32, #tpu.memory_space<vmem>>
        %dma_start3A_268 = tpu.memref_squeeze %dma_start3A_267 : memref<1x125xi32, #tpu.memory_space<vmem>> -> memref<125xi32, #tpu.memory_space<vmem>>
        %dma_start3A_269 = arith.constant 0 : i32
        %dma_start3A_270 = arith.constant 0 : i32
        %dma_start3A_271 = tpu.memref_slice %arg11[%dma_start3A_269, %dma_start3A_270] : memref<10000x128xf32, #tpu.memory_space<vmem_shared>> -> memref<10000x128xf32, #tpu.memory_space<vmem_shared>>
        tpu.enqueue_indirect_dma source(%arg9 : memref<125x128xf32, #tpu.memory_space<vmem>>) target(%dma_start3A_271 : memref<10000x128xf32, #tpu.memory_space<vmem_shared>>) offsets(%dma_start3A_268 : memref<125xi32, #tpu.memory_space<vmem>>) semaphore(%run_scoped3A : memref<!tpu.dma_semaphore, #tpu.memory_space<semaphore_mem>>) {add = true}
        %dma_wait3A_272 = arith.constant 0 : i32
        %dma_wait3A_273 = tpu.memref_slice %arg8[%add3A_237, %dma_wait3A_272] : memref<40x125xi32, #tpu.memory_space<vmem>> -> memref<1x125xi32, #tpu.memory_space<vmem>>
        %dma_wait3A_274 = tpu.memref_squeeze %dma_wait3A_273 : memref<1x125xi32, #tpu.memory_space<vmem>> -> memref<125xi32, #tpu.memory_space<vmem>>
        %dma_wait3A_275 = arith.constant 0 : i32
        %dma_wait3A_276 = arith.constant 0 : i32
        %dma_wait3A_277 = tpu.memref_slice %arg11[%dma_wait3A_275, %dma_wait3A_276] : memref<10000x128xf32, #tpu.memory_space<vmem_shared>> -> memref<10000x128xf32, #tpu.memory_space<vmem_shared>>
        tpu.wait_indirect_dma semaphore(%run_scoped3A : memref<!tpu.dma_semaphore, #tpu.memory_space<semaphore_mem>>) src(%arg9 : memref<125x128xf32, #tpu.memory_space<vmem>>) dst(%dma_wait3A_277 : memref<10000x128xf32, #tpu.memory_space<vmem_shared>>)
        tpu.yield
      }) : () -> ()
      %add3A_238 = arith.constant 8 : i32
      %add3A_239 = arith.addi %add3A_76, %add3A_238 : i32
      %add3A_240 = arith.constant 2 : i32
      %add3A_241 = arith.addi %add3A_239, %add3A_240 : i32
      %lt3A_242 = arith.constant 40 : i32
      %lt3A_243 = arith.cmpi slt, %add3A_241, %lt3A_242 : i32
      %convert_element_type3A_244 = arith.extui %lt3A_243 : i1 to i32
      %cond3A_245 = arith.constant 0 : i32
      %cond3A_246 = arith.cmpi ne, %convert_element_type3A_244, %cond3A_245 : i32
      scf.if %cond3A_246 {
        %dma_start3A_266 = arith.constant 0 : i32
        %dma_start3A_267 = tpu.memref_slice %arg7[%add3A_241, %dma_start3A_266] : memref<40x125xi32, #tpu.memory_space<vmem>> -> memref<1x125xi32, #tpu.memory_space<vmem>>
        %dma_start3A_268 = tpu.memref_squeeze %dma_start3A_267 : memref<1x125xi32, #tpu.memory_space<vmem>> -> memref<125xi32, #tpu.memory_space<vmem>>
        %dma_start3A_269 = arith.constant 0 : i32
        %dma_start3A_270 = arith.constant 0 : i32
        %dma_start3A_271 = tpu.memref_slice %arg2[%dma_start3A_269, %dma_start3A_270] : memref<10000x128xf32, #tpu.memory_space<hbm>> -> memref<10000x128xf32, #tpu.memory_space<hbm>>
        tpu.enqueue_indirect_dma source(%dma_start3A_271 : memref<10000x128xf32, #tpu.memory_space<hbm>>) target(%arg9 : memref<125x128xf32, #tpu.memory_space<vmem>>) offsets(%dma_start3A_268 : memref<125xi32, #tpu.memory_space<vmem>>) semaphore(%arg12 : memref<!tpu.dma_semaphore, #tpu.memory_space<semaphore_mem>>)
      } else {
      }
      %add3A_247 = arith.constant 9 : i32
      %add3A_248 = arith.addi %add3A_76, %add3A_247 : i32
      %dma_wait3A_249 = arith.constant 0 : i32
      %dma_wait3A_250 = tpu.memref_slice %arg7[%add3A_248, %dma_wait3A_249] : memref<40x125xi32, #tpu.memory_space<vmem>> -> memref<1x125xi32, #tpu.memory_space<vmem>>
      %dma_wait3A_251 = tpu.memref_squeeze %dma_wait3A_250 : memref<1x125xi32, #tpu.memory_space<vmem>> -> memref<125xi32, #tpu.memory_space<vmem>>
      %dma_wait3A_252 = arith.constant 0 : i32
      %dma_wait3A_253 = arith.constant 0 : i32
      %dma_wait3A_254 = tpu.memref_slice %arg2[%dma_wait3A_252, %dma_wait3A_253] : memref<10000x128xf32, #tpu.memory_space<hbm>> -> memref<10000x128xf32, #tpu.memory_space<hbm>>
      tpu.wait_indirect_dma semaphore(%arg13 : memref<!tpu.dma_semaphore, #tpu.memory_space<semaphore_mem>>) src(%dma_wait3A_254 : memref<10000x128xf32, #tpu.memory_space<hbm>>) dst(%arg10 : memref<125x128xf32, #tpu.memory_space<vmem>>)
      %add3A_255 = arith.constant 9 : i32
      %add3A_256 = arith.addi %add3A_76, %add3A_255 : i32
      "tpu.region"() ({
        %run_scoped3A = tpu.sem_alloc : memref<!tpu.dma_semaphore, #tpu.memory_space<semaphore_mem>>
        %dma_start3A_266 = arith.constant 0 : i32
        %dma_start3A_267 = tpu.memref_slice %arg8[%add3A_256, %dma_start3A_266] : memref<40x125xi32, #tpu.memory_space<vmem>> -> memref<1x125xi32, #tpu.memory_space<vmem>>
        %dma_start3A_268 = tpu.memref_squeeze %dma_start3A_267 : memref<1x125xi32, #tpu.memory_space<vmem>> -> memref<125xi32, #tpu.memory_space<vmem>>
        %dma_start3A_269 = arith.constant 0 : i32
        %dma_start3A_270 = arith.constant 0 : i32
        %dma_start3A_271 = tpu.memref_slice %arg11[%dma_start3A_269, %dma_start3A_270] : memref<10000x128xf32, #tpu.memory_space<vmem_shared>> -> memref<10000x128xf32, #tpu.memory_space<vmem_shared>>
        tpu.enqueue_indirect_dma source(%arg10 : memref<125x128xf32, #tpu.memory_space<vmem>>) target(%dma_start3A_271 : memref<10000x128xf32, #tpu.memory_space<vmem_shared>>) offsets(%dma_start3A_268 : memref<125xi32, #tpu.memory_space<vmem>>) semaphore(%run_scoped3A : memref<!tpu.dma_semaphore, #tpu.memory_space<semaphore_mem>>) {add = true}
        %dma_wait3A_272 = arith.constant 0 : i32
        %dma_wait3A_273 = tpu.memref_slice %arg8[%add3A_256, %dma_wait3A_272] : memref<40x125xi32, #tpu.memory_space<vmem>> -> memref<1x125xi32, #tpu.memory_space<vmem>>
        %dma_wait3A_274 = tpu.memref_squeeze %dma_wait3A_273 : memref<1x125xi32, #tpu.memory_space<vmem>> -> memref<125xi32, #tpu.memory_space<vmem>>
        %dma_wait3A_275 = arith.constant 0 : i32
        %dma_wait3A_276 = arith.constant 0 : i32
        %dma_wait3A_277 = tpu.memref_slice %arg11[%dma_wait3A_275, %dma_wait3A_276] : memref<10000x128xf32, #tpu.memory_space<vmem_shared>> -> memref<10000x128xf32, #tpu.memory_space<vmem_shared>>
        tpu.wait_indirect_dma semaphore(%run_scoped3A : memref<!tpu.dma_semaphore, #tpu.memory_space<semaphore_mem>>) src(%arg10 : memref<125x128xf32, #tpu.memory_space<vmem>>) dst(%dma_wait3A_277 : memref<10000x128xf32, #tpu.memory_space<vmem_shared>>)
        tpu.yield
      }) : () -> ()
      %add3A_257 = arith.constant 9 : i32
      %add3A_258 = arith.addi %add3A_76, %add3A_257 : i32
      %add3A_259 = arith.constant 2 : i32
      %add3A_260 = arith.addi %add3A_258, %add3A_259 : i32
      %lt3A_261 = arith.constant 40 : i32
      %lt3A_262 = arith.cmpi slt, %add3A_260, %lt3A_261 : i32
      %convert_element_type3A_263 = arith.extui %lt3A_262 : i1 to i32
      %cond3A_264 = arith.constant 0 : i32
      %cond3A_265 = arith.cmpi ne, %convert_element_type3A_263, %cond3A_264 : i32
      scf.if %cond3A_265 {
        %dma_start3A_266 = arith.constant 0 : i32
        %dma_start3A_267 = tpu.memref_slice %arg7[%add3A_260, %dma_start3A_266] : memref<40x125xi32, #tpu.memory_space<vmem>> -> memref<1x125xi32, #tpu.memory_space<vmem>>
        %dma_start3A_268 = tpu.memref_squeeze %dma_start3A_267 : memref<1x125xi32, #tpu.memory_space<vmem>> -> memref<125xi32, #tpu.memory_space<vmem>>
        %dma_start3A_269 = arith.constant 0 : i32
        %dma_start3A_270 = arith.constant 0 : i32
        %dma_start3A_271 = tpu.memref_slice %arg2[%dma_start3A_269, %dma_start3A_270] : memref<10000x128xf32, #tpu.memory_space<hbm>> -> memref<10000x128xf32, #tpu.memory_space<hbm>>
        tpu.enqueue_indirect_dma source(%dma_start3A_271 : memref<10000x128xf32, #tpu.memory_space<hbm>>) target(%arg10 : memref<125x128xf32, #tpu.memory_space<vmem>>) offsets(%dma_start3A_268 : memref<125xi32, #tpu.memory_space<vmem>>) semaphore(%arg13 : memref<!tpu.dma_semaphore, #tpu.memory_space<semaphore_mem>>)
      } else {
      }
    }
    %scan3A_38 = arith.constant 4 : i32
    %add3A_39 = arith.constant 40 : i32
    %add3A_40 = arith.addi %mul3A_2, %add3A_39 : i32
    "tpu.region"() ({
      %run_scoped3A = tpu.sem_alloc : memref<!tpu.dma_semaphore, #tpu.memory_space<semaphore_mem>>
      %dma_start3A_72 = arith.constant 0 : i32
      %dma_start3A_73 = tpu.memref_slice %arg3[%add3A_40, %dma_start3A_72] : memref<2560x125xi32, #tpu.memory_space<hbm>> -> memref<40x125xi32, #tpu.memory_space<hbm>>
      %dma_start3A_74 = arith.constant 0 : i32
      %dma_start3A_75 = tpu.memref_slice %arg3[%add3A_40, %dma_start3A_74] : memref<2560x125xi32, #tpu.memory_space<hbm>> -> memref<40x125xi32, #tpu.memory_space<hbm>>
      tpu.enqueue_dma source(%dma_start3A_75 : memref<40x125xi32, #tpu.memory_space<hbm>>) target(%arg7 : memref<40x125xi32, #tpu.memory_space<vmem>>) target_semaphore(%run_scoped3A : memref<!tpu.dma_semaphore, #tpu.memory_space<semaphore_mem>>)
      %dma_wait3A_76 = arith.constant 0 : i32
      %dma_wait3A_77 = tpu.memref_slice %arg3[%add3A_40, %dma_wait3A_76] : memref<2560x125xi32, #tpu.memory_space<hbm>> -> memref<40x125xi32, #tpu.memory_space<hbm>>
      %dma_wait3A_78 = arith.constant 0 : i32
      %dma_wait3A_79 = tpu.memref_slice %arg3[%add3A_40, %dma_wait3A_78] : memref<2560x125xi32, #tpu.memory_space<hbm>> -> memref<40x125xi32, #tpu.memory_space<hbm>>
      tpu.wait_dma2 semaphore(%run_scoped3A : memref<!tpu.dma_semaphore, #tpu.memory_space<semaphore_mem>>) src(%dma_wait3A_79 : memref<40x125xi32, #tpu.memory_space<hbm>>) dst(%arg7 : memref<40x125xi32, #tpu.memory_space<vmem>>)
      tpu.yield
    }) : () -> ()
    %add3A_41 = arith.constant 40 : i32
    %add3A_42 = arith.addi %mul3A_2, %add3A_41 : i32
    "tpu.region"() ({
      %run_scoped3A = tpu.sem_alloc : memref<!tpu.dma_semaphore, #tpu.memory_space<semaphore_mem>>
      %dma_start3A_72 = arith.constant 0 : i32
      %dma_start3A_73 = tpu.memref_slice %arg4[%add3A_42, %dma_start3A_72] : memref<2560x125xi32, #tpu.memory_space<hbm>> -> memref<40x125xi32, #tpu.memory_space<hbm>>
      %dma_start3A_74 = arith.constant 0 : i32
      %dma_start3A_75 = tpu.memref_slice %arg4[%add3A_42, %dma_start3A_74] : memref<2560x125xi32, #tpu.memory_space<hbm>> -> memref<40x125xi32, #tpu.memory_space<hbm>>
      tpu.enqueue_dma source(%dma_start3A_75 : memref<40x125xi32, #tpu.memory_space<hbm>>) target(%arg8 : memref<40x125xi32, #tpu.memory_space<vmem>>) target_semaphore(%run_scoped3A : memref<!tpu.dma_semaphore, #tpu.memory_space<semaphore_mem>>)
      %dma_wait3A_76 = arith.constant 0 : i32
      %dma_wait3A_77 = tpu.memref_slice %arg4[%add3A_42, %dma_wait3A_76] : memref<2560x125xi32, #tpu.memory_space<hbm>> -> memref<40x125xi32, #tpu.memory_space<hbm>>
      %dma_wait3A_78 = arith.constant 0 : i32
      %dma_wait3A_79 = tpu.memref_slice %arg4[%add3A_42, %dma_wait3A_78] : memref<2560x125xi32, #tpu.memory_space<hbm>> -> memref<40x125xi32, #tpu.memory_space<hbm>>
      tpu.wait_dma2 semaphore(%run_scoped3A : memref<!tpu.dma_semaphore, #tpu.memory_space<semaphore_mem>>) src(%dma_wait3A_79 : memref<40x125xi32, #tpu.memory_space<hbm>>) dst(%arg8 : memref<40x125xi32, #tpu.memory_space<vmem>>)
      tpu.yield
    }) : () -> ()
    %dma_start3A_43 = arith.constant 0 : i32
    %dma_start3A_44 = arith.constant 0 : i32
    %dma_start3A_45 = tpu.memref_slice %arg7[%dma_start3A_43, %dma_start3A_44] : memref<40x125xi32, #tpu.memory_space<vmem>> -> memref<1x125xi32, #tpu.memory_space<vmem>>
    %dma_start3A_46 = tpu.memref_squeeze %dma_start3A_45 : memref<1x125xi32, #tpu.memory_space<vmem>> -> memref<125xi32, #tpu.memory_space<vmem>>
    %dma_start3A_47 = arith.constant 0 : i32
    %dma_start3A_48 = arith.constant 0 : i32
    %dma_start3A_49 = tpu.memref_slice %arg2[%dma_start3A_47, %dma_start3A_48] : memref<10000x128xf32, #tpu.memory_space<hbm>> -> memref<10000x128xf32, #tpu.memory_space<hbm>>
    tpu.enqueue_indirect_dma source(%dma_start3A_49 : memref<10000x128xf32, #tpu.memory_space<hbm>>) target(%arg9 : memref<125x128xf32, #tpu.memory_space<vmem>>) offsets(%dma_start3A_46 : memref<125xi32, #tpu.memory_space<vmem>>) semaphore(%arg12 : memref<!tpu.dma_semaphore, #tpu.memory_space<semaphore_mem>>)
    %dma_start3A_50 = arith.constant 1 : i32
    %dma_start3A_51 = arith.constant 0 : i32
    %dma_start3A_52 = tpu.memref_slice %arg7[%dma_start3A_50, %dma_start3A_51] : memref<40x125xi32, #tpu.memory_space<vmem>> -> memref<1x125xi32, #tpu.memory_space<vmem>>
    %dma_start3A_53 = tpu.memref_squeeze %dma_start3A_52 : memref<1x125xi32, #tpu.memory_space<vmem>> -> memref<125xi32, #tpu.memory_space<vmem>>
    %dma_start3A_54 = arith.constant 0 : i32
    %dma_start3A_55 = arith.constant 0 : i32
    %dma_start3A_56 = tpu.memref_slice %arg2[%dma_start3A_54, %dma_start3A_55] : memref<10000x128xf32, #tpu.memory_space<hbm>> -> memref<10000x128xf32, #tpu.memory_space<hbm>>
    tpu.enqueue_indirect_dma source(%dma_start3A_56 : memref<10000x128xf32, #tpu.memory_space<hbm>>) target(%arg10 : memref<125x128xf32, #tpu.memory_space<vmem>>) offsets(%dma_start3A_53 : memref<125xi32, #tpu.memory_space<vmem>>) semaphore(%arg13 : memref<!tpu.dma_semaphore, #tpu.memory_space<semaphore_mem>>)
    %scan3A_57 = arith.constant 0 : i32
    %scan3A_58 = arith.constant 4 : i32
    %scan3A_59 = arith.addi %scan3A_57, %scan3A_58 : i32
    %scan3A_60 = arith.constant 1 : i32
    scf.for %scan3A_72 = %scan3A_57 to %scan3A_59 step %scan3A_60  : i32 {
      %mul3A_73 = arith.constant 10 : i32
      %mul3A_74 = arith.muli %scan3A_72, %mul3A_73 : i32
      %add3A_75 = arith.constant 0 : i32
      %add3A_76 = arith.addi %add3A_75, %mul3A_74 : i32
      %add3A_77 = arith.constant 0 : i32
      %add3A_78 = arith.addi %add3A_76, %add3A_77 : i32
      %dma_wait3A_79 = arith.constant 0 : i32
      %dma_wait3A_80 = tpu.memref_slice %arg7[%add3A_78, %dma_wait3A_79] : memref<40x125xi32, #tpu.memory_space<vmem>> -> memref<1x125xi32, #tpu.memory_space<vmem>>
      %dma_wait3A_81 = tpu.memref_squeeze %dma_wait3A_80 : memref<1x125xi32, #tpu.memory_space<vmem>> -> memref<125xi32, #tpu.memory_space<vmem>>
      %dma_wait3A_82 = arith.constant 0 : i32
      %dma_wait3A_83 = arith.constant 0 : i32
      %dma_wait3A_84 = tpu.memref_slice %arg2[%dma_wait3A_82, %dma_wait3A_83] : memref<10000x128xf32, #tpu.memory_space<hbm>> -> memref<10000x128xf32, #tpu.memory_space<hbm>>
      tpu.wait_indirect_dma semaphore(%arg12 : memref<!tpu.dma_semaphore, #tpu.memory_space<semaphore_mem>>) src(%dma_wait3A_84 : memref<10000x128xf32, #tpu.memory_space<hbm>>) dst(%arg9 : memref<125x128xf32, #tpu.memory_space<vmem>>)
      %add3A_85 = arith.constant 0 : i32
      %add3A_86 = arith.addi %add3A_76, %add3A_85 : i32
      "tpu.region"() ({
        %run_scoped3A = tpu.sem_alloc : memref<!tpu.dma_semaphore, #tpu.memory_space<semaphore_mem>>
        %dma_start3A_266 = arith.constant 0 : i32
        %dma_start3A_267 = tpu.memref_slice %arg8[%add3A_86, %dma_start3A_266] : memref<40x125xi32, #tpu.memory_space<vmem>> -> memref<1x125xi32, #tpu.memory_space<vmem>>
        %dma_start3A_268 = tpu.memref_squeeze %dma_start3A_267 : memref<1x125xi32, #tpu.memory_space<vmem>> -> memref<125xi32, #tpu.memory_space<vmem>>
        %dma_start3A_269 = arith.constant 0 : i32
        %dma_start3A_270 = arith.constant 0 : i32
        %dma_start3A_271 = tpu.memref_slice %arg11[%dma_start3A_269, %dma_start3A_270] : memref<10000x128xf32, #tpu.memory_space<vmem_shared>> -> memref<10000x128xf32, #tpu.memory_space<vmem_shared>>
        tpu.enqueue_indirect_dma source(%arg9 : memref<125x128xf32, #tpu.memory_space<vmem>>) target(%dma_start3A_271 : memref<10000x128xf32, #tpu.memory_space<vmem_shared>>) offsets(%dma_start3A_268 : memref<125xi32, #tpu.memory_space<vmem>>) semaphore(%run_scoped3A : memref<!tpu.dma_semaphore, #tpu.memory_space<semaphore_mem>>) {add = true}
        %dma_wait3A_272 = arith.constant 0 : i32
        %dma_wait3A_273 = tpu.memref_slice %arg8[%add3A_86, %dma_wait3A_272] : memref<40x125xi32, #tpu.memory_space<vmem>> -> memref<1x125xi32, #tpu.memory_space<vmem>>
        %dma_wait3A_274 = tpu.memref_squeeze %dma_wait3A_273 : memref<1x125xi32, #tpu.memory_space<vmem>> -> memref<125xi32, #tpu.memory_space<vmem>>
        %dma_wait3A_275 = arith.constant 0 : i32
        %dma_wait3A_276 = arith.constant 0 : i32
        %dma_wait3A_277 = tpu.memref_slice %arg11[%dma_wait3A_275, %dma_wait3A_276] : memref<10000x128xf32, #tpu.memory_space<vmem_shared>> -> memref<10000x128xf32, #tpu.memory_space<vmem_shared>>
        tpu.wait_indirect_dma semaphore(%run_scoped3A : memref<!tpu.dma_semaphore, #tpu.memory_space<semaphore_mem>>) src(%arg9 : memref<125x128xf32, #tpu.memory_space<vmem>>) dst(%dma_wait3A_277 : memref<10000x128xf32, #tpu.memory_space<vmem_shared>>)
        tpu.yield
      }) : () -> ()
      %add3A_87 = arith.constant 0 : i32
      %add3A_88 = arith.addi %add3A_76, %add3A_87 : i32
      %add3A_89 = arith.constant 2 : i32
      %add3A_90 = arith.addi %add3A_88, %add3A_89 : i32
      %lt3A = arith.constant 40 : i32
      %lt3A_91 = arith.cmpi slt, %add3A_90, %lt3A : i32
      %convert_element_type3A_92 = arith.extui %lt3A_91 : i1 to i32
      %cond3A_93 = arith.constant 0 : i32
      %cond3A_94 = arith.cmpi ne, %convert_element_type3A_92, %cond3A_93 : i32
      scf.if %cond3A_94 {
        %dma_start3A_266 = arith.constant 0 : i32
        %dma_start3A_267 = tpu.memref_slice %arg7[%add3A_90, %dma_start3A_266] : memref<40x125xi32, #tpu.memory_space<vmem>> -> memref<1x125xi32, #tpu.memory_space<vmem>>
        %dma_start3A_268 = tpu.memref_squeeze %dma_start3A_267 : memref<1x125xi32, #tpu.memory_space<vmem>> -> memref<125xi32, #tpu.memory_space<vmem>>
        %dma_start3A_269 = arith.constant 0 : i32
        %dma_start3A_270 = arith.constant 0 : i32
        %dma_start3A_271 = tpu.memref_slice %arg2[%dma_start3A_269, %dma_start3A_270] : memref<10000x128xf32, #tpu.memory_space<hbm>> -> memref<10000x128xf32, #tpu.memory_space<hbm>>
        tpu.enqueue_indirect_dma source(%dma_start3A_271 : memref<10000x128xf32, #tpu.memory_space<hbm>>) target(%arg9 : memref<125x128xf32, #tpu.memory_space<vmem>>) offsets(%dma_start3A_268 : memref<125xi32, #tpu.memory_space<vmem>>) semaphore(%arg12 : memref<!tpu.dma_semaphore, #tpu.memory_space<semaphore_mem>>)
      } else {
      }
      %add3A_95 = arith.constant 1 : i32
      %add3A_96 = arith.addi %add3A_76, %add3A_95 : i32
      %dma_wait3A_97 = arith.constant 0 : i32
      %dma_wait3A_98 = tpu.memref_slice %arg7[%add3A_96, %dma_wait3A_97] : memref<40x125xi32, #tpu.memory_space<vmem>> -> memref<1x125xi32, #tpu.memory_space<vmem>>
      %dma_wait3A_99 = tpu.memref_squeeze %dma_wait3A_98 : memref<1x125xi32, #tpu.memory_space<vmem>> -> memref<125xi32, #tpu.memory_space<vmem>>
      %dma_wait3A_100 = arith.constant 0 : i32
      %dma_wait3A_101 = arith.constant 0 : i32
      %dma_wait3A_102 = tpu.memref_slice %arg2[%dma_wait3A_100, %dma_wait3A_101] : memref<10000x128xf32, #tpu.memory_space<hbm>> -> memref<10000x128xf32, #tpu.memory_space<hbm>>
      tpu.wait_indirect_dma semaphore(%arg13 : memref<!tpu.dma_semaphore, #tpu.memory_space<semaphore_mem>>) src(%dma_wait3A_102 : memref<10000x128xf32, #tpu.memory_space<hbm>>) dst(%arg10 : memref<125x128xf32, #tpu.memory_space<vmem>>)
      %add3A_103 = arith.constant 1 : i32
      %add3A_104 = arith.addi %add3A_76, %add3A_103 : i32
      "tpu.region"() ({
        %run_scoped3A = tpu.sem_alloc : memref<!tpu.dma_semaphore, #tpu.memory_space<semaphore_mem>>
        %dma_start3A_266 = arith.constant 0 : i32
        %dma_start3A_267 = tpu.memref_slice %arg8[%add3A_104, %dma_start3A_266] : memref<40x125xi32, #tpu.memory_space<vmem>> -> memref<1x125xi32, #tpu.memory_space<vmem>>
        %dma_start3A_268 = tpu.memref_squeeze %dma_start3A_267 : memref<1x125xi32, #tpu.memory_space<vmem>> -> memref<125xi32, #tpu.memory_space<vmem>>
        %dma_start3A_269 = arith.constant 0 : i32
        %dma_start3A_270 = arith.constant 0 : i32
        %dma_start3A_271 = tpu.memref_slice %arg11[%dma_start3A_269, %dma_start3A_270] : memref<10000x128xf32, #tpu.memory_space<vmem_shared>> -> memref<10000x128xf32, #tpu.memory_space<vmem_shared>>
        tpu.enqueue_indirect_dma source(%arg10 : memref<125x128xf32, #tpu.memory_space<vmem>>) target(%dma_start3A_271 : memref<10000x128xf32, #tpu.memory_space<vmem_shared>>) offsets(%dma_start3A_268 : memref<125xi32, #tpu.memory_space<vmem>>) semaphore(%run_scoped3A : memref<!tpu.dma_semaphore, #tpu.memory_space<semaphore_mem>>) {add = true}
        %dma_wait3A_272 = arith.constant 0 : i32
        %dma_wait3A_273 = tpu.memref_slice %arg8[%add3A_104, %dma_wait3A_272] : memref<40x125xi32, #tpu.memory_space<vmem>> -> memref<1x125xi32, #tpu.memory_space<vmem>>
        %dma_wait3A_274 = tpu.memref_squeeze %dma_wait3A_273 : memref<1x125xi32, #tpu.memory_space<vmem>> -> memref<125xi32, #tpu.memory_space<vmem>>
        %dma_wait3A_275 = arith.constant 0 : i32
        %dma_wait3A_276 = arith.constant 0 : i32
        %dma_wait3A_277 = tpu.memref_slice %arg11[%dma_wait3A_275, %dma_wait3A_276] : memref<10000x128xf32, #tpu.memory_space<vmem_shared>> -> memref<10000x128xf32, #tpu.memory_space<vmem_shared>>
        tpu.wait_indirect_dma semaphore(%run_scoped3A : memref<!tpu.dma_semaphore, #tpu.memory_space<semaphore_mem>>) src(%arg10 : memref<125x128xf32, #tpu.memory_space<vmem>>) dst(%dma_wait3A_277 : memref<10000x128xf32, #tpu.memory_space<vmem_shared>>)
        tpu.yield
      }) : () -> ()
      %add3A_105 = arith.constant 1 : i32
      %add3A_106 = arith.addi %add3A_76, %add3A_105 : i32
      %add3A_107 = arith.constant 2 : i32
      %add3A_108 = arith.addi %add3A_106, %add3A_107 : i32
      %lt3A_109 = arith.constant 40 : i32
      %lt3A_110 = arith.cmpi slt, %add3A_108, %lt3A_109 : i32
      %convert_element_type3A_111 = arith.extui %lt3A_110 : i1 to i32
      %cond3A_112 = arith.constant 0 : i32
      %cond3A_113 = arith.cmpi ne, %convert_element_type3A_111, %cond3A_112 : i32
      scf.if %cond3A_113 {
        %dma_start3A_266 = arith.constant 0 : i32
        %dma_start3A_267 = tpu.memref_slice %arg7[%add3A_108, %dma_start3A_266] : memref<40x125xi32, #tpu.memory_space<vmem>> -> memref<1x125xi32, #tpu.memory_space<vmem>>
        %dma_start3A_268 = tpu.memref_squeeze %dma_start3A_267 : memref<1x125xi32, #tpu.memory_space<vmem>> -> memref<125xi32, #tpu.memory_space<vmem>>
        %dma_start3A_269 = arith.constant 0 : i32
        %dma_start3A_270 = arith.constant 0 : i32
        %dma_start3A_271 = tpu.memref_slice %arg2[%dma_start3A_269, %dma_start3A_270] : memref<10000x128xf32, #tpu.memory_space<hbm>> -> memref<10000x128xf32, #tpu.memory_space<hbm>>
        tpu.enqueue_indirect_dma source(%dma_start3A_271 : memref<10000x128xf32, #tpu.memory_space<hbm>>) target(%arg10 : memref<125x128xf32, #tpu.memory_space<vmem>>) offsets(%dma_start3A_268 : memref<125xi32, #tpu.memory_space<vmem>>) semaphore(%arg13 : memref<!tpu.dma_semaphore, #tpu.memory_space<semaphore_mem>>)
      } else {
      }
      %add3A_114 = arith.constant 2 : i32
      %add3A_115 = arith.addi %add3A_76, %add3A_114 : i32
      %dma_wait3A_116 = arith.constant 0 : i32
      %dma_wait3A_117 = tpu.memref_slice %arg7[%add3A_115, %dma_wait3A_116] : memref<40x125xi32, #tpu.memory_space<vmem>> -> memref<1x125xi32, #tpu.memory_space<vmem>>
      %dma_wait3A_118 = tpu.memref_squeeze %dma_wait3A_117 : memref<1x125xi32, #tpu.memory_space<vmem>> -> memref<125xi32, #tpu.memory_space<vmem>>
      %dma_wait3A_119 = arith.constant 0 : i32
      %dma_wait3A_120 = arith.constant 0 : i32
      %dma_wait3A_121 = tpu.memref_slice %arg2[%dma_wait3A_119, %dma_wait3A_120] : memref<10000x128xf32, #tpu.memory_space<hbm>> -> memref<10000x128xf32, #tpu.memory_space<hbm>>
      tpu.wait_indirect_dma semaphore(%arg12 : memref<!tpu.dma_semaphore, #tpu.memory_space<semaphore_mem>>) src(%dma_wait3A_121 : memref<10000x128xf32, #tpu.memory_space<hbm>>) dst(%arg9 : memref<125x128xf32, #tpu.memory_space<vmem>>)
      %add3A_122 = arith.constant 2 : i32
      %add3A_123 = arith.addi %add3A_76, %add3A_122 : i32
      "tpu.region"() ({
        %run_scoped3A = tpu.sem_alloc : memref<!tpu.dma_semaphore, #tpu.memory_space<semaphore_mem>>
        %dma_start3A_266 = arith.constant 0 : i32
        %dma_start3A_267 = tpu.memref_slice %arg8[%add3A_123, %dma_start3A_266] : memref<40x125xi32, #tpu.memory_space<vmem>> -> memref<1x125xi32, #tpu.memory_space<vmem>>
        %dma_start3A_268 = tpu.memref_squeeze %dma_start3A_267 : memref<1x125xi32, #tpu.memory_space<vmem>> -> memref<125xi32, #tpu.memory_space<vmem>>
        %dma_start3A_269 = arith.constant 0 : i32
        %dma_start3A_270 = arith.constant 0 : i32
        %dma_start3A_271 = tpu.memref_slice %arg11[%dma_start3A_269, %dma_start3A_270] : memref<10000x128xf32, #tpu.memory_space<vmem_shared>> -> memref<10000x128xf32, #tpu.memory_space<vmem_shared>>
        tpu.enqueue_indirect_dma source(%arg9 : memref<125x128xf32, #tpu.memory_space<vmem>>) target(%dma_start3A_271 : memref<10000x128xf32, #tpu.memory_space<vmem_shared>>) offsets(%dma_start3A_268 : memref<125xi32, #tpu.memory_space<vmem>>) semaphore(%run_scoped3A : memref<!tpu.dma_semaphore, #tpu.memory_space<semaphore_mem>>) {add = true}
        %dma_wait3A_272 = arith.constant 0 : i32
        %dma_wait3A_273 = tpu.memref_slice %arg8[%add3A_123, %dma_wait3A_272] : memref<40x125xi32, #tpu.memory_space<vmem>> -> memref<1x125xi32, #tpu.memory_space<vmem>>
        %dma_wait3A_274 = tpu.memref_squeeze %dma_wait3A_273 : memref<1x125xi32, #tpu.memory_space<vmem>> -> memref<125xi32, #tpu.memory_space<vmem>>
        %dma_wait3A_275 = arith.constant 0 : i32
        %dma_wait3A_276 = arith.constant 0 : i32
        %dma_wait3A_277 = tpu.memref_slice %arg11[%dma_wait3A_275, %dma_wait3A_276] : memref<10000x128xf32, #tpu.memory_space<vmem_shared>> -> memref<10000x128xf32, #tpu.memory_space<vmem_shared>>
        tpu.wait_indirect_dma semaphore(%run_scoped3A : memref<!tpu.dma_semaphore, #tpu.memory_space<semaphore_mem>>) src(%arg9 : memref<125x128xf32, #tpu.memory_space<vmem>>) dst(%dma_wait3A_277 : memref<10000x128xf32, #tpu.memory_space<vmem_shared>>)
        tpu.yield
      }) : () -> ()
      %add3A_124 = arith.constant 2 : i32
      %add3A_125 = arith.addi %add3A_76, %add3A_124 : i32
      %add3A_126 = arith.constant 2 : i32
      %add3A_127 = arith.addi %add3A_125, %add3A_126 : i32
      %lt3A_128 = arith.constant 40 : i32
      %lt3A_129 = arith.cmpi slt, %add3A_127, %lt3A_128 : i32
      %convert_element_type3A_130 = arith.extui %lt3A_129 : i1 to i32
      %cond3A_131 = arith.constant 0 : i32
      %cond3A_132 = arith.cmpi ne, %convert_element_type3A_130, %cond3A_131 : i32
      scf.if %cond3A_132 {
        %dma_start3A_266 = arith.constant 0 : i32
        %dma_start3A_267 = tpu.memref_slice %arg7[%add3A_127, %dma_start3A_266] : memref<40x125xi32, #tpu.memory_space<vmem>> -> memref<1x125xi32, #tpu.memory_space<vmem>>
        %dma_start3A_268 = tpu.memref_squeeze %dma_start3A_267 : memref<1x125xi32, #tpu.memory_space<vmem>> -> memref<125xi32, #tpu.memory_space<vmem>>
        %dma_start3A_269 = arith.constant 0 : i32
        %dma_start3A_270 = arith.constant 0 : i32
        %dma_start3A_271 = tpu.memref_slice %arg2[%dma_start3A_269, %dma_start3A_270] : memref<10000x128xf32, #tpu.memory_space<hbm>> -> memref<10000x128xf32, #tpu.memory_space<hbm>>
        tpu.enqueue_indirect_dma source(%dma_start3A_271 : memref<10000x128xf32, #tpu.memory_space<hbm>>) target(%arg9 : memref<125x128xf32, #tpu.memory_space<vmem>>) offsets(%dma_start3A_268 : memref<125xi32, #tpu.memory_space<vmem>>) semaphore(%arg12 : memref<!tpu.dma_semaphore, #tpu.memory_space<semaphore_mem>>)
      } else {
      }
      %add3A_133 = arith.constant 3 : i32
      %add3A_134 = arith.addi %add3A_76, %add3A_133 : i32
      %dma_wait3A_135 = arith.constant 0 : i32
      %dma_wait3A_136 = tpu.memref_slice %arg7[%add3A_134, %dma_wait3A_135] : memref<40x125xi32, #tpu.memory_space<vmem>> -> memref<1x125xi32, #tpu.memory_space<vmem>>
      %dma_wait3A_137 = tpu.memref_squeeze %dma_wait3A_136 : memref<1x125xi32, #tpu.memory_space<vmem>> -> memref<125xi32, #tpu.memory_space<vmem>>
      %dma_wait3A_138 = arith.constant 0 : i32
      %dma_wait3A_139 = arith.constant 0 : i32
      %dma_wait3A_140 = tpu.memref_slice %arg2[%dma_wait3A_138, %dma_wait3A_139] : memref<10000x128xf32, #tpu.memory_space<hbm>> -> memref<10000x128xf32, #tpu.memory_space<hbm>>
      tpu.wait_indirect_dma semaphore(%arg13 : memref<!tpu.dma_semaphore, #tpu.memory_space<semaphore_mem>>) src(%dma_wait3A_140 : memref<10000x128xf32, #tpu.memory_space<hbm>>) dst(%arg10 : memref<125x128xf32, #tpu.memory_space<vmem>>)
      %add3A_141 = arith.constant 3 : i32
      %add3A_142 = arith.addi %add3A_76, %add3A_141 : i32
      "tpu.region"() ({
        %run_scoped3A = tpu.sem_alloc : memref<!tpu.dma_semaphore, #tpu.memory_space<semaphore_mem>>
        %dma_start3A_266 = arith.constant 0 : i32
        %dma_start3A_267 = tpu.memref_slice %arg8[%add3A_142, %dma_start3A_266] : memref<40x125xi32, #tpu.memory_space<vmem>> -> memref<1x125xi32, #tpu.memory_space<vmem>>
        %dma_start3A_268 = tpu.memref_squeeze %dma_start3A_267 : memref<1x125xi32, #tpu.memory_space<vmem>> -> memref<125xi32, #tpu.memory_space<vmem>>
        %dma_start3A_269 = arith.constant 0 : i32
        %dma_start3A_270 = arith.constant 0 : i32
        %dma_start3A_271 = tpu.memref_slice %arg11[%dma_start3A_269, %dma_start3A_270] : memref<10000x128xf32, #tpu.memory_space<vmem_shared>> -> memref<10000x128xf32, #tpu.memory_space<vmem_shared>>
        tpu.enqueue_indirect_dma source(%arg10 : memref<125x128xf32, #tpu.memory_space<vmem>>) target(%dma_start3A_271 : memref<10000x128xf32, #tpu.memory_space<vmem_shared>>) offsets(%dma_start3A_268 : memref<125xi32, #tpu.memory_space<vmem>>) semaphore(%run_scoped3A : memref<!tpu.dma_semaphore, #tpu.memory_space<semaphore_mem>>) {add = true}
        %dma_wait3A_272 = arith.constant 0 : i32
        %dma_wait3A_273 = tpu.memref_slice %arg8[%add3A_142, %dma_wait3A_272] : memref<40x125xi32, #tpu.memory_space<vmem>> -> memref<1x125xi32, #tpu.memory_space<vmem>>
        %dma_wait3A_274 = tpu.memref_squeeze %dma_wait3A_273 : memref<1x125xi32, #tpu.memory_space<vmem>> -> memref<125xi32, #tpu.memory_space<vmem>>
        %dma_wait3A_275 = arith.constant 0 : i32
        %dma_wait3A_276 = arith.constant 0 : i32
        %dma_wait3A_277 = tpu.memref_slice %arg11[%dma_wait3A_275, %dma_wait3A_276] : memref<10000x128xf32, #tpu.memory_space<vmem_shared>> -> memref<10000x128xf32, #tpu.memory_space<vmem_shared>>
        tpu.wait_indirect_dma semaphore(%run_scoped3A : memref<!tpu.dma_semaphore, #tpu.memory_space<semaphore_mem>>) src(%arg10 : memref<125x128xf32, #tpu.memory_space<vmem>>) dst(%dma_wait3A_277 : memref<10000x128xf32, #tpu.memory_space<vmem_shared>>)
        tpu.yield
      }) : () -> ()
      %add3A_143 = arith.constant 3 : i32
      %add3A_144 = arith.addi %add3A_76, %add3A_143 : i32
      %add3A_145 = arith.constant 2 : i32
      %add3A_146 = arith.addi %add3A_144, %add3A_145 : i32
      %lt3A_147 = arith.constant 40 : i32
      %lt3A_148 = arith.cmpi slt, %add3A_146, %lt3A_147 : i32
      %convert_element_type3A_149 = arith.extui %lt3A_148 : i1 to i32
      %cond3A_150 = arith.constant 0 : i32
      %cond3A_151 = arith.cmpi ne, %convert_element_type3A_149, %cond3A_150 : i32
      scf.if %cond3A_151 {
        %dma_start3A_266 = arith.constant 0 : i32
        %dma_start3A_267 = tpu.memref_slice %arg7[%add3A_146, %dma_start3A_266] : memref<40x125xi32, #tpu.memory_space<vmem>> -> memref<1x125xi32, #tpu.memory_space<vmem>>
        %dma_start3A_268 = tpu.memref_squeeze %dma_start3A_267 : memref<1x125xi32, #tpu.memory_space<vmem>> -> memref<125xi32, #tpu.memory_space<vmem>>
        %dma_start3A_269 = arith.constant 0 : i32
        %dma_start3A_270 = arith.constant 0 : i32
        %dma_start3A_271 = tpu.memref_slice %arg2[%dma_start3A_269, %dma_start3A_270] : memref<10000x128xf32, #tpu.memory_space<hbm>> -> memref<10000x128xf32, #tpu.memory_space<hbm>>
        tpu.enqueue_indirect_dma source(%dma_start3A_271 : memref<10000x128xf32, #tpu.memory_space<hbm>>) target(%arg10 : memref<125x128xf32, #tpu.memory_space<vmem>>) offsets(%dma_start3A_268 : memref<125xi32, #tpu.memory_space<vmem>>) semaphore(%arg13 : memref<!tpu.dma_semaphore, #tpu.memory_space<semaphore_mem>>)
      } else {
      }
      %add3A_152 = arith.constant 4 : i32
      %add3A_153 = arith.addi %add3A_76, %add3A_152 : i32
      %dma_wait3A_154 = arith.constant 0 : i32
      %dma_wait3A_155 = tpu.memref_slice %arg7[%add3A_153, %dma_wait3A_154] : memref<40x125xi32, #tpu.memory_space<vmem>> -> memref<1x125xi32, #tpu.memory_space<vmem>>
      %dma_wait3A_156 = tpu.memref_squeeze %dma_wait3A_155 : memref<1x125xi32, #tpu.memory_space<vmem>> -> memref<125xi32, #tpu.memory_space<vmem>>
      %dma_wait3A_157 = arith.constant 0 : i32
      %dma_wait3A_158 = arith.constant 0 : i32
      %dma_wait3A_159 = tpu.memref_slice %arg2[%dma_wait3A_157, %dma_wait3A_158] : memref<10000x128xf32, #tpu.memory_space<hbm>> -> memref<10000x128xf32, #tpu.memory_space<hbm>>
      tpu.wait_indirect_dma semaphore(%arg12 : memref<!tpu.dma_semaphore, #tpu.memory_space<semaphore_mem>>) src(%dma_wait3A_159 : memref<10000x128xf32, #tpu.memory_space<hbm>>) dst(%arg9 : memref<125x128xf32, #tpu.memory_space<vmem>>)
      %add3A_160 = arith.constant 4 : i32
      %add3A_161 = arith.addi %add3A_76, %add3A_160 : i32
      "tpu.region"() ({
        %run_scoped3A = tpu.sem_alloc : memref<!tpu.dma_semaphore, #tpu.memory_space<semaphore_mem>>
        %dma_start3A_266 = arith.constant 0 : i32
        %dma_start3A_267 = tpu.memref_slice %arg8[%add3A_161, %dma_start3A_266] : memref<40x125xi32, #tpu.memory_space<vmem>> -> memref<1x125xi32, #tpu.memory_space<vmem>>
        %dma_start3A_268 = tpu.memref_squeeze %dma_start3A_267 : memref<1x125xi32, #tpu.memory_space<vmem>> -> memref<125xi32, #tpu.memory_space<vmem>>
        %dma_start3A_269 = arith.constant 0 : i32
        %dma_start3A_270 = arith.constant 0 : i32
        %dma_start3A_271 = tpu.memref_slice %arg11[%dma_start3A_269, %dma_start3A_270] : memref<10000x128xf32, #tpu.memory_space<vmem_shared>> -> memref<10000x128xf32, #tpu.memory_space<vmem_shared>>
        tpu.enqueue_indirect_dma source(%arg9 : memref<125x128xf32, #tpu.memory_space<vmem>>) target(%dma_start3A_271 : memref<10000x128xf32, #tpu.memory_space<vmem_shared>>) offsets(%dma_start3A_268 : memref<125xi32, #tpu.memory_space<vmem>>) semaphore(%run_scoped3A : memref<!tpu.dma_semaphore, #tpu.memory_space<semaphore_mem>>) {add = true}
        %dma_wait3A_272 = arith.constant 0 : i32
        %dma_wait3A_273 = tpu.memref_slice %arg8[%add3A_161, %dma_wait3A_272] : memref<40x125xi32, #tpu.memory_space<vmem>> -> memref<1x125xi32, #tpu.memory_space<vmem>>
        %dma_wait3A_274 = tpu.memref_squeeze %dma_wait3A_273 : memref<1x125xi32, #tpu.memory_space<vmem>> -> memref<125xi32, #tpu.memory_space<vmem>>
        %dma_wait3A_275 = arith.constant 0 : i32
        %dma_wait3A_276 = arith.constant 0 : i32
        %dma_wait3A_277 = tpu.memref_slice %arg11[%dma_wait3A_275, %dma_wait3A_276] : memref<10000x128xf32, #tpu.memory_space<vmem_shared>> -> memref<10000x128xf32, #tpu.memory_space<vmem_shared>>
        tpu.wait_indirect_dma semaphore(%run_scoped3A : memref<!tpu.dma_semaphore, #tpu.memory_space<semaphore_mem>>) src(%arg9 : memref<125x128xf32, #tpu.memory_space<vmem>>) dst(%dma_wait3A_277 : memref<10000x128xf32, #tpu.memory_space<vmem_shared>>)
        tpu.yield
      }) : () -> ()
      %add3A_162 = arith.constant 4 : i32
      %add3A_163 = arith.addi %add3A_76, %add3A_162 : i32
      %add3A_164 = arith.constant 2 : i32
      %add3A_165 = arith.addi %add3A_163, %add3A_164 : i32
      %lt3A_166 = arith.constant 40 : i32
      %lt3A_167 = arith.cmpi slt, %add3A_165, %lt3A_166 : i32
      %convert_element_type3A_168 = arith.extui %lt3A_167 : i1 to i32
      %cond3A_169 = arith.constant 0 : i32
      %cond3A_170 = arith.cmpi ne, %convert_element_type3A_168, %cond3A_169 : i32
      scf.if %cond3A_170 {
        %dma_start3A_266 = arith.constant 0 : i32
        %dma_start3A_267 = tpu.memref_slice %arg7[%add3A_165, %dma_start3A_266] : memref<40x125xi32, #tpu.memory_space<vmem>> -> memref<1x125xi32, #tpu.memory_space<vmem>>
        %dma_start3A_268 = tpu.memref_squeeze %dma_start3A_267 : memref<1x125xi32, #tpu.memory_space<vmem>> -> memref<125xi32, #tpu.memory_space<vmem>>
        %dma_start3A_269 = arith.constant 0 : i32
        %dma_start3A_270 = arith.constant 0 : i32
        %dma_start3A_271 = tpu.memref_slice %arg2[%dma_start3A_269, %dma_start3A_270] : memref<10000x128xf32, #tpu.memory_space<hbm>> -> memref<10000x128xf32, #tpu.memory_space<hbm>>
        tpu.enqueue_indirect_dma source(%dma_start3A_271 : memref<10000x128xf32, #tpu.memory_space<hbm>>) target(%arg9 : memref<125x128xf32, #tpu.memory_space<vmem>>) offsets(%dma_start3A_268 : memref<125xi32, #tpu.memory_space<vmem>>) semaphore(%arg12 : memref<!tpu.dma_semaphore, #tpu.memory_space<semaphore_mem>>)
      } else {
      }
      %add3A_171 = arith.constant 5 : i32
      %add3A_172 = arith.addi %add3A_76, %add3A_171 : i32
      %dma_wait3A_173 = arith.constant 0 : i32
      %dma_wait3A_174 = tpu.memref_slice %arg7[%add3A_172, %dma_wait3A_173] : memref<40x125xi32, #tpu.memory_space<vmem>> -> memref<1x125xi32, #tpu.memory_space<vmem>>
      %dma_wait3A_175 = tpu.memref_squeeze %dma_wait3A_174 : memref<1x125xi32, #tpu.memory_space<vmem>> -> memref<125xi32, #tpu.memory_space<vmem>>
      %dma_wait3A_176 = arith.constant 0 : i32
      %dma_wait3A_177 = arith.constant 0 : i32
      %dma_wait3A_178 = tpu.memref_slice %arg2[%dma_wait3A_176, %dma_wait3A_177] : memref<10000x128xf32, #tpu.memory_space<hbm>> -> memref<10000x128xf32, #tpu.memory_space<hbm>>
      tpu.wait_indirect_dma semaphore(%arg13 : memref<!tpu.dma_semaphore, #tpu.memory_space<semaphore_mem>>) src(%dma_wait3A_178 : memref<10000x128xf32, #tpu.memory_space<hbm>>) dst(%arg10 : memref<125x128xf32, #tpu.memory_space<vmem>>)
      %add3A_179 = arith.constant 5 : i32
      %add3A_180 = arith.addi %add3A_76, %add3A_179 : i32
      "tpu.region"() ({
        %run_scoped3A = tpu.sem_alloc : memref<!tpu.dma_semaphore, #tpu.memory_space<semaphore_mem>>
        %dma_start3A_266 = arith.constant 0 : i32
        %dma_start3A_267 = tpu.memref_slice %arg8[%add3A_180, %dma_start3A_266] : memref<40x125xi32, #tpu.memory_space<vmem>> -> memref<1x125xi32, #tpu.memory_space<vmem>>
        %dma_start3A_268 = tpu.memref_squeeze %dma_start3A_267 : memref<1x125xi32, #tpu.memory_space<vmem>> -> memref<125xi32, #tpu.memory_space<vmem>>
        %dma_start3A_269 = arith.constant 0 : i32
        %dma_start3A_270 = arith.constant 0 : i32
        %dma_start3A_271 = tpu.memref_slice %arg11[%dma_start3A_269, %dma_start3A_270] : memref<10000x128xf32, #tpu.memory_space<vmem_shared>> -> memref<10000x128xf32, #tpu.memory_space<vmem_shared>>
        tpu.enqueue_indirect_dma source(%arg10 : memref<125x128xf32, #tpu.memory_space<vmem>>) target(%dma_start3A_271 : memref<10000x128xf32, #tpu.memory_space<vmem_shared>>) offsets(%dma_start3A_268 : memref<125xi32, #tpu.memory_space<vmem>>) semaphore(%run_scoped3A : memref<!tpu.dma_semaphore, #tpu.memory_space<semaphore_mem>>) {add = true}
        %dma_wait3A_272 = arith.constant 0 : i32
        %dma_wait3A_273 = tpu.memref_slice %arg8[%add3A_180, %dma_wait3A_272] : memref<40x125xi32, #tpu.memory_space<vmem>> -> memref<1x125xi32, #tpu.memory_space<vmem>>
        %dma_wait3A_274 = tpu.memref_squeeze %dma_wait3A_273 : memref<1x125xi32, #tpu.memory_space<vmem>> -> memref<125xi32, #tpu.memory_space<vmem>>
        %dma_wait3A_275 = arith.constant 0 : i32
        %dma_wait3A_276 = arith.constant 0 : i32
        %dma_wait3A_277 = tpu.memref_slice %arg11[%dma_wait3A_275, %dma_wait3A_276] : memref<10000x128xf32, #tpu.memory_space<vmem_shared>> -> memref<10000x128xf32, #tpu.memory_space<vmem_shared>>
        tpu.wait_indirect_dma semaphore(%run_scoped3A : memref<!tpu.dma_semaphore, #tpu.memory_space<semaphore_mem>>) src(%arg10 : memref<125x128xf32, #tpu.memory_space<vmem>>) dst(%dma_wait3A_277 : memref<10000x128xf32, #tpu.memory_space<vmem_shared>>)
        tpu.yield
      }) : () -> ()
      %add3A_181 = arith.constant 5 : i32
      %add3A_182 = arith.addi %add3A_76, %add3A_181 : i32
      %add3A_183 = arith.constant 2 : i32
      %add3A_184 = arith.addi %add3A_182, %add3A_183 : i32
      %lt3A_185 = arith.constant 40 : i32
      %lt3A_186 = arith.cmpi slt, %add3A_184, %lt3A_185 : i32
      %convert_element_type3A_187 = arith.extui %lt3A_186 : i1 to i32
      %cond3A_188 = arith.constant 0 : i32
      %cond3A_189 = arith.cmpi ne, %convert_element_type3A_187, %cond3A_188 : i32
      scf.if %cond3A_189 {
        %dma_start3A_266 = arith.constant 0 : i32
        %dma_start3A_267 = tpu.memref_slice %arg7[%add3A_184, %dma_start3A_266] : memref<40x125xi32, #tpu.memory_space<vmem>> -> memref<1x125xi32, #tpu.memory_space<vmem>>
        %dma_start3A_268 = tpu.memref_squeeze %dma_start3A_267 : memref<1x125xi32, #tpu.memory_space<vmem>> -> memref<125xi32, #tpu.memory_space<vmem>>
        %dma_start3A_269 = arith.constant 0 : i32
        %dma_start3A_270 = arith.constant 0 : i32
        %dma_start3A_271 = tpu.memref_slice %arg2[%dma_start3A_269, %dma_start3A_270] : memref<10000x128xf32, #tpu.memory_space<hbm>> -> memref<10000x128xf32, #tpu.memory_space<hbm>>
        tpu.enqueue_indirect_dma source(%dma_start3A_271 : memref<10000x128xf32, #tpu.memory_space<hbm>>) target(%arg10 : memref<125x128xf32, #tpu.memory_space<vmem>>) offsets(%dma_start3A_268 : memref<125xi32, #tpu.memory_space<vmem>>) semaphore(%arg13 : memref<!tpu.dma_semaphore, #tpu.memory_space<semaphore_mem>>)
      } else {
      }
      %add3A_190 = arith.constant 6 : i32
      %add3A_191 = arith.addi %add3A_76, %add3A_190 : i32
      %dma_wait3A_192 = arith.constant 0 : i32
      %dma_wait3A_193 = tpu.memref_slice %arg7[%add3A_191, %dma_wait3A_192] : memref<40x125xi32, #tpu.memory_space<vmem>> -> memref<1x125xi32, #tpu.memory_space<vmem>>
      %dma_wait3A_194 = tpu.memref_squeeze %dma_wait3A_193 : memref<1x125xi32, #tpu.memory_space<vmem>> -> memref<125xi32, #tpu.memory_space<vmem>>
      %dma_wait3A_195 = arith.constant 0 : i32
      %dma_wait3A_196 = arith.constant 0 : i32
      %dma_wait3A_197 = tpu.memref_slice %arg2[%dma_wait3A_195, %dma_wait3A_196] : memref<10000x128xf32, #tpu.memory_space<hbm>> -> memref<10000x128xf32, #tpu.memory_space<hbm>>
      tpu.wait_indirect_dma semaphore(%arg12 : memref<!tpu.dma_semaphore, #tpu.memory_space<semaphore_mem>>) src(%dma_wait3A_197 : memref<10000x128xf32, #tpu.memory_space<hbm>>) dst(%arg9 : memref<125x128xf32, #tpu.memory_space<vmem>>)
      %add3A_198 = arith.constant 6 : i32
      %add3A_199 = arith.addi %add3A_76, %add3A_198 : i32
      "tpu.region"() ({
        %run_scoped3A = tpu.sem_alloc : memref<!tpu.dma_semaphore, #tpu.memory_space<semaphore_mem>>
        %dma_start3A_266 = arith.constant 0 : i32
        %dma_start3A_267 = tpu.memref_slice %arg8[%add3A_199, %dma_start3A_266] : memref<40x125xi32, #tpu.memory_space<vmem>> -> memref<1x125xi32, #tpu.memory_space<vmem>>
        %dma_start3A_268 = tpu.memref_squeeze %dma_start3A_267 : memref<1x125xi32, #tpu.memory_space<vmem>> -> memref<125xi32, #tpu.memory_space<vmem>>
        %dma_start3A_269 = arith.constant 0 : i32
        %dma_start3A_270 = arith.constant 0 : i32
        %dma_start3A_271 = tpu.memref_slice %arg11[%dma_start3A_269, %dma_start3A_270] : memref<10000x128xf32, #tpu.memory_space<vmem_shared>> -> memref<10000x128xf32, #tpu.memory_space<vmem_shared>>
        tpu.enqueue_indirect_dma source(%arg9 : memref<125x128xf32, #tpu.memory_space<vmem>>) target(%dma_start3A_271 : memref<10000x128xf32, #tpu.memory_space<vmem_shared>>) offsets(%dma_start3A_268 : memref<125xi32, #tpu.memory_space<vmem>>) semaphore(%run_scoped3A : memref<!tpu.dma_semaphore, #tpu.memory_space<semaphore_mem>>) {add = true}
        %dma_wait3A_272 = arith.constant 0 : i32
        %dma_wait3A_273 = tpu.memref_slice %arg8[%add3A_199, %dma_wait3A_272] : memref<40x125xi32, #tpu.memory_space<vmem>> -> memref<1x125xi32, #tpu.memory_space<vmem>>
        %dma_wait3A_274 = tpu.memref_squeeze %dma_wait3A_273 : memref<1x125xi32, #tpu.memory_space<vmem>> -> memref<125xi32, #tpu.memory_space<vmem>>
        %dma_wait3A_275 = arith.constant 0 : i32
        %dma_wait3A_276 = arith.constant 0 : i32
        %dma_wait3A_277 = tpu.memref_slice %arg11[%dma_wait3A_275, %dma_wait3A_276] : memref<10000x128xf32, #tpu.memory_space<vmem_shared>> -> memref<10000x128xf32, #tpu.memory_space<vmem_shared>>
        tpu.wait_indirect_dma semaphore(%run_scoped3A : memref<!tpu.dma_semaphore, #tpu.memory_space<semaphore_mem>>) src(%arg9 : memref<125x128xf32, #tpu.memory_space<vmem>>) dst(%dma_wait3A_277 : memref<10000x128xf32, #tpu.memory_space<vmem_shared>>)
        tpu.yield
      }) : () -> ()
      %add3A_200 = arith.constant 6 : i32
      %add3A_201 = arith.addi %add3A_76, %add3A_200 : i32
      %add3A_202 = arith.constant 2 : i32
      %add3A_203 = arith.addi %add3A_201, %add3A_202 : i32
      %lt3A_204 = arith.constant 40 : i32
      %lt3A_205 = arith.cmpi slt, %add3A_203, %lt3A_204 : i32
      %convert_element_type3A_206 = arith.extui %lt3A_205 : i1 to i32
      %cond3A_207 = arith.constant 0 : i32
      %cond3A_208 = arith.cmpi ne, %convert_element_type3A_206, %cond3A_207 : i32
      scf.if %cond3A_208 {
        %dma_start3A_266 = arith.constant 0 : i32
        %dma_start3A_267 = tpu.memref_slice %arg7[%add3A_203, %dma_start3A_266] : memref<40x125xi32, #tpu.memory_space<vmem>> -> memref<1x125xi32, #tpu.memory_space<vmem>>
        %dma_start3A_268 = tpu.memref_squeeze %dma_start3A_267 : memref<1x125xi32, #tpu.memory_space<vmem>> -> memref<125xi32, #tpu.memory_space<vmem>>
        %dma_start3A_269 = arith.constant 0 : i32
        %dma_start3A_270 = arith.constant 0 : i32
        %dma_start3A_271 = tpu.memref_slice %arg2[%dma_start3A_269, %dma_start3A_270] : memref<10000x128xf32, #tpu.memory_space<hbm>> -> memref<10000x128xf32, #tpu.memory_space<hbm>>
        tpu.enqueue_indirect_dma source(%dma_start3A_271 : memref<10000x128xf32, #tpu.memory_space<hbm>>) target(%arg9 : memref<125x128xf32, #tpu.memory_space<vmem>>) offsets(%dma_start3A_268 : memref<125xi32, #tpu.memory_space<vmem>>) semaphore(%arg12 : memref<!tpu.dma_semaphore, #tpu.memory_space<semaphore_mem>>)
      } else {
      }
      %add3A_209 = arith.constant 7 : i32
      %add3A_210 = arith.addi %add3A_76, %add3A_209 : i32
      %dma_wait3A_211 = arith.constant 0 : i32
      %dma_wait3A_212 = tpu.memref_slice %arg7[%add3A_210, %dma_wait3A_211] : memref<40x125xi32, #tpu.memory_space<vmem>> -> memref<1x125xi32, #tpu.memory_space<vmem>>
      %dma_wait3A_213 = tpu.memref_squeeze %dma_wait3A_212 : memref<1x125xi32, #tpu.memory_space<vmem>> -> memref<125xi32, #tpu.memory_space<vmem>>
      %dma_wait3A_214 = arith.constant 0 : i32
      %dma_wait3A_215 = arith.constant 0 : i32
      %dma_wait3A_216 = tpu.memref_slice %arg2[%dma_wait3A_214, %dma_wait3A_215] : memref<10000x128xf32, #tpu.memory_space<hbm>> -> memref<10000x128xf32, #tpu.memory_space<hbm>>
      tpu.wait_indirect_dma semaphore(%arg13 : memref<!tpu.dma_semaphore, #tpu.memory_space<semaphore_mem>>) src(%dma_wait3A_216 : memref<10000x128xf32, #tpu.memory_space<hbm>>) dst(%arg10 : memref<125x128xf32, #tpu.memory_space<vmem>>)
      %add3A_217 = arith.constant 7 : i32
      %add3A_218 = arith.addi %add3A_76, %add3A_217 : i32
      "tpu.region"() ({
        %run_scoped3A = tpu.sem_alloc : memref<!tpu.dma_semaphore, #tpu.memory_space<semaphore_mem>>
        %dma_start3A_266 = arith.constant 0 : i32
        %dma_start3A_267 = tpu.memref_slice %arg8[%add3A_218, %dma_start3A_266] : memref<40x125xi32, #tpu.memory_space<vmem>> -> memref<1x125xi32, #tpu.memory_space<vmem>>
        %dma_start3A_268 = tpu.memref_squeeze %dma_start3A_267 : memref<1x125xi32, #tpu.memory_space<vmem>> -> memref<125xi32, #tpu.memory_space<vmem>>
        %dma_start3A_269 = arith.constant 0 : i32
        %dma_start3A_270 = arith.constant 0 : i32
        %dma_start3A_271 = tpu.memref_slice %arg11[%dma_start3A_269, %dma_start3A_270] : memref<10000x128xf32, #tpu.memory_space<vmem_shared>> -> memref<10000x128xf32, #tpu.memory_space<vmem_shared>>
        tpu.enqueue_indirect_dma source(%arg10 : memref<125x128xf32, #tpu.memory_space<vmem>>) target(%dma_start3A_271 : memref<10000x128xf32, #tpu.memory_space<vmem_shared>>) offsets(%dma_start3A_268 : memref<125xi32, #tpu.memory_space<vmem>>) semaphore(%run_scoped3A : memref<!tpu.dma_semaphore, #tpu.memory_space<semaphore_mem>>) {add = true}
        %dma_wait3A_272 = arith.constant 0 : i32
        %dma_wait3A_273 = tpu.memref_slice %arg8[%add3A_218, %dma_wait3A_272] : memref<40x125xi32, #tpu.memory_space<vmem>> -> memref<1x125xi32, #tpu.memory_space<vmem>>
        %dma_wait3A_274 = tpu.memref_squeeze %dma_wait3A_273 : memref<1x125xi32, #tpu.memory_space<vmem>> -> memref<125xi32, #tpu.memory_space<vmem>>
        %dma_wait3A_275 = arith.constant 0 : i32
        %dma_wait3A_276 = arith.constant 0 : i32
        %dma_wait3A_277 = tpu.memref_slice %arg11[%dma_wait3A_275, %dma_wait3A_276] : memref<10000x128xf32, #tpu.memory_space<vmem_shared>> -> memref<10000x128xf32, #tpu.memory_space<vmem_shared>>
        tpu.wait_indirect_dma semaphore(%run_scoped3A : memref<!tpu.dma_semaphore, #tpu.memory_space<semaphore_mem>>) src(%arg10 : memref<125x128xf32, #tpu.memory_space<vmem>>) dst(%dma_wait3A_277 : memref<10000x128xf32, #tpu.memory_space<vmem_shared>>)
        tpu.yield
      }) : () -> ()
      %add3A_219 = arith.constant 7 : i32
      %add3A_220 = arith.addi %add3A_76, %add3A_219 : i32
      %add3A_221 = arith.constant 2 : i32
      %add3A_222 = arith.addi %add3A_220, %add3A_221 : i32
      %lt3A_223 = arith.constant 40 : i32
      %lt3A_224 = arith.cmpi slt, %add3A_222, %lt3A_223 : i32
      %convert_element_type3A_225 = arith.extui %lt3A_224 : i1 to i32
      %cond3A_226 = arith.constant 0 : i32
      %cond3A_227 = arith.cmpi ne, %convert_element_type3A_225, %cond3A_226 : i32
      scf.if %cond3A_227 {
        %dma_start3A_266 = arith.constant 0 : i32
        %dma_start3A_267 = tpu.memref_slice %arg7[%add3A_222, %dma_start3A_266] : memref<40x125xi32, #tpu.memory_space<vmem>> -> memref<1x125xi32, #tpu.memory_space<vmem>>
        %dma_start3A_268 = tpu.memref_squeeze %dma_start3A_267 : memref<1x125xi32, #tpu.memory_space<vmem>> -> memref<125xi32, #tpu.memory_space<vmem>>
        %dma_start3A_269 = arith.constant 0 : i32
        %dma_start3A_270 = arith.constant 0 : i32
        %dma_start3A_271 = tpu.memref_slice %arg2[%dma_start3A_269, %dma_start3A_270] : memref<10000x128xf32, #tpu.memory_space<hbm>> -> memref<10000x128xf32, #tpu.memory_space<hbm>>
        tpu.enqueue_indirect_dma source(%dma_start3A_271 : memref<10000x128xf32, #tpu.memory_space<hbm>>) target(%arg10 : memref<125x128xf32, #tpu.memory_space<vmem>>) offsets(%dma_start3A_268 : memref<125xi32, #tpu.memory_space<vmem>>) semaphore(%arg13 : memref<!tpu.dma_semaphore, #tpu.memory_space<semaphore_mem>>)
      } else {
      }
      %add3A_228 = arith.constant 8 : i32
      %add3A_229 = arith.addi %add3A_76, %add3A_228 : i32
      %dma_wait3A_230 = arith.constant 0 : i32
      %dma_wait3A_231 = tpu.memref_slice %arg7[%add3A_229, %dma_wait3A_230] : memref<40x125xi32, #tpu.memory_space<vmem>> -> memref<1x125xi32, #tpu.memory_space<vmem>>
      %dma_wait3A_232 = tpu.memref_squeeze %dma_wait3A_231 : memref<1x125xi32, #tpu.memory_space<vmem>> -> memref<125xi32, #tpu.memory_space<vmem>>
      %dma_wait3A_233 = arith.constant 0 : i32
      %dma_wait3A_234 = arith.constant 0 : i32
      %dma_wait3A_235 = tpu.memref_slice %arg2[%dma_wait3A_233, %dma_wait3A_234] : memref<10000x128xf32, #tpu.memory_space<hbm>> -> memref<10000x128xf32, #tpu.memory_space<hbm>>
      tpu.wait_indirect_dma semaphore(%arg12 : memref<!tpu.dma_semaphore, #tpu.memory_space<semaphore_mem>>) src(%dma_wait3A_235 : memref<10000x128xf32, #tpu.memory_space<hbm>>) dst(%arg9 : memref<125x128xf32, #tpu.memory_space<vmem>>)
      %add3A_236 = arith.constant 8 : i32
      %add3A_237 = arith.addi %add3A_76, %add3A_236 : i32
      "tpu.region"() ({
        %run_scoped3A = tpu.sem_alloc : memref<!tpu.dma_semaphore, #tpu.memory_space<semaphore_mem>>
        %dma_start3A_266 = arith.constant 0 : i32
        %dma_start3A_267 = tpu.memref_slice %arg8[%add3A_237, %dma_start3A_266] : memref<40x125xi32, #tpu.memory_space<vmem>> -> memref<1x125xi32, #tpu.memory_space<vmem>>
        %dma_start3A_268 = tpu.memref_squeeze %dma_start3A_267 : memref<1x125xi32, #tpu.memory_space<vmem>> -> memref<125xi32, #tpu.memory_space<vmem>>
        %dma_start3A_269 = arith.constant 0 : i32
        %dma_start3A_270 = arith.constant 0 : i32
        %dma_start3A_271 = tpu.memref_slice %arg11[%dma_start3A_269, %dma_start3A_270] : memref<10000x128xf32, #tpu.memory_space<vmem_shared>> -> memref<10000x128xf32, #tpu.memory_space<vmem_shared>>
        tpu.enqueue_indirect_dma source(%arg9 : memref<125x128xf32, #tpu.memory_space<vmem>>) target(%dma_start3A_271 : memref<10000x128xf32, #tpu.memory_space<vmem_shared>>) offsets(%dma_start3A_268 : memref<125xi32, #tpu.memory_space<vmem>>) semaphore(%run_scoped3A : memref<!tpu.dma_semaphore, #tpu.memory_space<semaphore_mem>>) {add = true}
        %dma_wait3A_272 = arith.constant 0 : i32
        %dma_wait3A_273 = tpu.memref_slice %arg8[%add3A_237, %dma_wait3A_272] : memref<40x125xi32, #tpu.memory_space<vmem>> -> memref<1x125xi32, #tpu.memory_space<vmem>>
        %dma_wait3A_274 = tpu.memref_squeeze %dma_wait3A_273 : memref<1x125xi32, #tpu.memory_space<vmem>> -> memref<125xi32, #tpu.memory_space<vmem>>
        %dma_wait3A_275 = arith.constant 0 : i32
        %dma_wait3A_276 = arith.constant 0 : i32
        %dma_wait3A_277 = tpu.memref_slice %arg11[%dma_wait3A_275, %dma_wait3A_276] : memref<10000x128xf32, #tpu.memory_space<vmem_shared>> -> memref<10000x128xf32, #tpu.memory_space<vmem_shared>>
        tpu.wait_indirect_dma semaphore(%run_scoped3A : memref<!tpu.dma_semaphore, #tpu.memory_space<semaphore_mem>>) src(%arg9 : memref<125x128xf32, #tpu.memory_space<vmem>>) dst(%dma_wait3A_277 : memref<10000x128xf32, #tpu.memory_space<vmem_shared>>)
        tpu.yield
      }) : () -> ()
      %add3A_238 = arith.constant 8 : i32
      %add3A_239 = arith.addi %add3A_76, %add3A_238 : i32
      %add3A_240 = arith.constant 2 : i32
      %add3A_241 = arith.addi %add3A_239, %add3A_240 : i32
      %lt3A_242 = arith.constant 40 : i32
      %lt3A_243 = arith.cmpi slt, %add3A_241, %lt3A_242 : i32
      %convert_element_type3A_244 = arith.extui %lt3A_243 : i1 to i32
      %cond3A_245 = arith.constant 0 : i32
      %cond3A_246 = arith.cmpi ne, %convert_element_type3A_244, %cond3A_245 : i32
      scf.if %cond3A_246 {
        %dma_start3A_266 = arith.constant 0 : i32
        %dma_start3A_267 = tpu.memref_slice %arg7[%add3A_241, %dma_start3A_266] : memref<40x125xi32, #tpu.memory_space<vmem>> -> memref<1x125xi32, #tpu.memory_space<vmem>>
        %dma_start3A_268 = tpu.memref_squeeze %dma_start3A_267 : memref<1x125xi32, #tpu.memory_space<vmem>> -> memref<125xi32, #tpu.memory_space<vmem>>
        %dma_start3A_269 = arith.constant 0 : i32
        %dma_start3A_270 = arith.constant 0 : i32
        %dma_start3A_271 = tpu.memref_slice %arg2[%dma_start3A_269, %dma_start3A_270] : memref<10000x128xf32, #tpu.memory_space<hbm>> -> memref<10000x128xf32, #tpu.memory_space<hbm>>
        tpu.enqueue_indirect_dma source(%dma_start3A_271 : memref<10000x128xf32, #tpu.memory_space<hbm>>) target(%arg9 : memref<125x128xf32, #tpu.memory_space<vmem>>) offsets(%dma_start3A_268 : memref<125xi32, #tpu.memory_space<vmem>>) semaphore(%arg12 : memref<!tpu.dma_semaphore, #tpu.memory_space<semaphore_mem>>)
      } else {
      }
      %add3A_247 = arith.constant 9 : i32
      %add3A_248 = arith.addi %add3A_76, %add3A_247 : i32
      %dma_wait3A_249 = arith.constant 0 : i32
      %dma_wait3A_250 = tpu.memref_slice %arg7[%add3A_248, %dma_wait3A_249] : memref<40x125xi32, #tpu.memory_space<vmem>> -> memref<1x125xi32, #tpu.memory_space<vmem>>
      %dma_wait3A_251 = tpu.memref_squeeze %dma_wait3A_250 : memref<1x125xi32, #tpu.memory_space<vmem>> -> memref<125xi32, #tpu.memory_space<vmem>>
      %dma_wait3A_252 = arith.constant 0 : i32
      %dma_wait3A_253 = arith.constant 0 : i32
      %dma_wait3A_254 = tpu.memref_slice %arg2[%dma_wait3A_252, %dma_wait3A_253] : memref<10000x128xf32, #tpu.memory_space<hbm>> -> memref<10000x128xf32, #tpu.memory_space<hbm>>
      tpu.wait_indirect_dma semaphore(%arg13 : memref<!tpu.dma_semaphore, #tpu.memory_space<semaphore_mem>>) src(%dma_wait3A_254 : memref<10000x128xf32, #tpu.memory_space<hbm>>) dst(%arg10 : memref<125x128xf32, #tpu.memory_space<vmem>>)
      %add3A_255 = arith.constant 9 : i32
      %add3A_256 = arith.addi %add3A_76, %add3A_255 : i32
      "tpu.region"() ({
        %run_scoped3A = tpu.sem_alloc : memref<!tpu.dma_semaphore, #tpu.memory_space<semaphore_mem>>
        %dma_start3A_266 = arith.constant 0 : i32
        %dma_start3A_267 = tpu.memref_slice %arg8[%add3A_256, %dma_start3A_266] : memref<40x125xi32, #tpu.memory_space<vmem>> -> memref<1x125xi32, #tpu.memory_space<vmem>>
        %dma_start3A_268 = tpu.memref_squeeze %dma_start3A_267 : memref<1x125xi32, #tpu.memory_space<vmem>> -> memref<125xi32, #tpu.memory_space<vmem>>
        %dma_start3A_269 = arith.constant 0 : i32
        %dma_start3A_270 = arith.constant 0 : i32
        %dma_start3A_271 = tpu.memref_slice %arg11[%dma_start3A_269, %dma_start3A_270] : memref<10000x128xf32, #tpu.memory_space<vmem_shared>> -> memref<10000x128xf32, #tpu.memory_space<vmem_shared>>
        tpu.enqueue_indirect_dma source(%arg10 : memref<125x128xf32, #tpu.memory_space<vmem>>) target(%dma_start3A_271 : memref<10000x128xf32, #tpu.memory_space<vmem_shared>>) offsets(%dma_start3A_268 : memref<125xi32, #tpu.memory_space<vmem>>) semaphore(%run_scoped3A : memref<!tpu.dma_semaphore, #tpu.memory_space<semaphore_mem>>) {add = true}
        %dma_wait3A_272 = arith.constant 0 : i32
        %dma_wait3A_273 = tpu.memref_slice %arg8[%add3A_256, %dma_wait3A_272] : memref<40x125xi32, #tpu.memory_space<vmem>> -> memref<1x125xi32, #tpu.memory_space<vmem>>
        %dma_wait3A_274 = tpu.memref_squeeze %dma_wait3A_273 : memref<1x125xi32, #tpu.memory_space<vmem>> -> memref<125xi32, #tpu.memory_space<vmem>>
        %dma_wait3A_275 = arith.constant 0 : i32
        %dma_wait3A_276 = arith.constant 0 : i32
        %dma_wait3A_277 = tpu.memref_slice %arg11[%dma_wait3A_275, %dma_wait3A_276] : memref<10000x128xf32, #tpu.memory_space<vmem_shared>> -> memref<10000x128xf32, #tpu.memory_space<vmem_shared>>
        tpu.wait_indirect_dma semaphore(%run_scoped3A : memref<!tpu.dma_semaphore, #tpu.memory_space<semaphore_mem>>) src(%arg10 : memref<125x128xf32, #tpu.memory_space<vmem>>) dst(%dma_wait3A_277 : memref<10000x128xf32, #tpu.memory_space<vmem_shared>>)
        tpu.yield
      }) : () -> ()
      %add3A_257 = arith.constant 9 : i32
      %add3A_258 = arith.addi %add3A_76, %add3A_257 : i32
      %add3A_259 = arith.constant 2 : i32
      %add3A_260 = arith.addi %add3A_258, %add3A_259 : i32
      %lt3A_261 = arith.constant 40 : i32
      %lt3A_262 = arith.cmpi slt, %add3A_260, %lt3A_261 : i32
      %convert_element_type3A_263 = arith.extui %lt3A_262 : i1 to i32
      %cond3A_264 = arith.constant 0 : i32
      %cond3A_265 = arith.cmpi ne, %convert_element_type3A_263, %cond3A_264 : i32
      scf.if %cond3A_265 {
        %dma_start3A_266 = arith.constant 0 : i32
        %dma_start3A_267 = tpu.memref_slice %arg7[%add3A_260, %dma_start3A_266] : memref<40x125xi32, #tpu.memory_space<vmem>> -> memref<1x125xi32, #tpu.memory_space<vmem>>
        %dma_start3A_268 = tpu.memref_squeeze %dma_start3A_267 : memref<1x125xi32, #tpu.memory_space<vmem>> -> memref<125xi32, #tpu.memory_space<vmem>>
        %dma_start3A_269 = arith.constant 0 : i32
        %dma_start3A_270 = arith.constant 0 : i32
        %dma_start3A_271 = tpu.memref_slice %arg2[%dma_start3A_269, %dma_start3A_270] : memref<10000x128xf32, #tpu.memory_space<hbm>> -> memref<10000x128xf32, #tpu.memory_space<hbm>>
        tpu.enqueue_indirect_dma source(%dma_start3A_271 : memref<10000x128xf32, #tpu.memory_space<hbm>>) target(%arg10 : memref<125x128xf32, #tpu.memory_space<vmem>>) offsets(%dma_start3A_268 : memref<125xi32, #tpu.memory_space<vmem>>) semaphore(%arg13 : memref<!tpu.dma_semaphore, #tpu.memory_space<semaphore_mem>>)
      } else {
      }
    }
    %scan3A_61 = arith.constant 4 : i32
    %barrier3A_62 = arith.constant 0 : index
    tpu.barrier barrier_id(%barrier3A_62)
    %mul3A_63 = arith.constant 624 : i32
    %mul3A_64 = arith.muli %arg1, %mul3A_63 : i32
    %mul3A_65 = arith.constant 624 : i32
    %mul3A_66 = arith.muli %arg1, %mul3A_65 : i32
    "tpu.region"() ({
      %run_scoped3A = tpu.sem_alloc : memref<!tpu.dma_semaphore, #tpu.memory_space<semaphore_mem>>
      %dma_start3A_72 = arith.constant 0 : i32
      %dma_start3A_73 = tpu.memref_slice %arg6[%arg0, %mul3A_66, %dma_start3A_72] : memref<2x10000x128xf32, #tpu.memory_space<hbm>> -> memref<1x624x128xf32, #tpu.memory_space<hbm>>
      %dma_start3A_74 = tpu.memref_squeeze %dma_start3A_73 : memref<1x624x128xf32, #tpu.memory_space<hbm>> -> memref<624x128xf32, #tpu.memory_space<hbm>>
      %dma_start3A_75 = arith.constant 0 : i32
      %dma_start3A_76 = tpu.memref_slice %arg11[%mul3A_64, %dma_start3A_75] : memref<10000x128xf32, #tpu.memory_space<vmem_shared>> -> memref<624x128xf32, #tpu.memory_space<vmem_shared>>
      tpu.enqueue_dma source(%dma_start3A_76 : memref<624x128xf32, #tpu.memory_space<vmem_shared>>) target(%dma_start3A_74 : memref<624x128xf32, #tpu.memory_space<hbm>>) target_semaphore(%run_scoped3A : memref<!tpu.dma_semaphore, #tpu.memory_space<semaphore_mem>>)
      %dma_wait3A_77 = arith.constant 0 : i32
      %dma_wait3A_78 = tpu.memref_slice %arg6[%arg0, %mul3A_66, %dma_wait3A_77] : memref<2x10000x128xf32, #tpu.memory_space<hbm>> -> memref<1x624x128xf32, #tpu.memory_space<hbm>>
      %dma_wait3A_79 = tpu.memref_squeeze %dma_wait3A_78 : memref<1x624x128xf32, #tpu.memory_space<hbm>> -> memref<624x128xf32, #tpu.memory_space<hbm>>
      %dma_wait3A_80 = arith.constant 0 : i32
      %dma_wait3A_81 = tpu.memref_slice %arg11[%mul3A_64, %dma_wait3A_80] : memref<10000x128xf32, #tpu.memory_space<vmem_shared>> -> memref<624x128xf32, #tpu.memory_space<vmem_shared>>
      tpu.wait_dma2 semaphore(%run_scoped3A : memref<!tpu.dma_semaphore, #tpu.memory_space<semaphore_mem>>) src(%dma_wait3A_81 : memref<624x128xf32, #tpu.memory_space<vmem_shared>>) dst(%dma_wait3A_79 : memref<624x128xf32, #tpu.memory_space<hbm>>)
      tpu.yield
    }) : () -> ()
    %eq3A_67 = arith.constant 15 : i32
    %eq3A_68 = arith.cmpi eq, %arg1, %eq3A_67 : i32
    %convert_element_type3A_69 = arith.extui %eq3A_68 : i1 to i32
    %cond3A_70 = arith.constant 0 : i32
    %cond3A_71 = arith.cmpi ne, %convert_element_type3A_69, %cond3A_70 : i32
    scf.if %cond3A_71 {
      "tpu.region"() ({
        %run_scoped3A = tpu.sem_alloc : memref<!tpu.dma_semaphore, #tpu.memory_space<semaphore_mem>>
        %dma_start3A_72 = arith.constant 9984 : i32
        %dma_start3A_73 = arith.constant 0 : i32
        %dma_start3A_74 = tpu.memref_slice %arg6[%arg0, %dma_start3A_72, %dma_start3A_73] : memref<2x10000x128xf32, #tpu.memory_space<hbm>> -> memref<1x16x128xf32, #tpu.memory_space<hbm>>
        %dma_start3A_75 = tpu.memref_squeeze %dma_start3A_74 : memref<1x16x128xf32, #tpu.memory_space<hbm>> -> memref<16x128xf32, #tpu.memory_space<hbm>>
        %dma_start3A_76 = arith.constant 9984 : i32
        %dma_start3A_77 = arith.constant 0 : i32
        %dma_start3A_78 = tpu.memref_slice %arg11[%dma_start3A_76, %dma_start3A_77] : memref<10000x128xf32, #tpu.memory_space<vmem_shared>> -> memref<16x128xf32, #tpu.memory_space<vmem_shared>>
        tpu.enqueue_dma source(%dma_start3A_78 : memref<16x128xf32, #tpu.memory_space<vmem_shared>>) target(%dma_start3A_75 : memref<16x128xf32, #tpu.memory_space<hbm>>) target_semaphore(%run_scoped3A : memref<!tpu.dma_semaphore, #tpu.memory_space<semaphore_mem>>)
        %dma_wait3A_79 = arith.constant 9984 : i32
        %dma_wait3A_80 = arith.constant 0 : i32
        %dma_wait3A_81 = tpu.memref_slice %arg6[%arg0, %dma_wait3A_79, %dma_wait3A_80] : memref<2x10000x128xf32, #tpu.memory_space<hbm>> -> memref<1x16x128xf32, #tpu.memory_space<hbm>>
        %dma_wait3A_82 = tpu.memref_squeeze %dma_wait3A_81 : memref<1x16x128xf32, #tpu.memory_space<hbm>> -> memref<16x128xf32, #tpu.memory_space<hbm>>
        %dma_wait3A_83 = arith.constant 9984 : i32
        %dma_wait3A_84 = arith.constant 0 : i32
        %dma_wait3A_85 = tpu.memref_slice %arg11[%dma_wait3A_83, %dma_wait3A_84] : memref<10000x128xf32, #tpu.memory_space<vmem_shared>> -> memref<16x128xf32, #tpu.memory_space<vmem_shared>>
        tpu.wait_dma2 semaphore(%run_scoped3A : memref<!tpu.dma_semaphore, #tpu.memory_space<semaphore_mem>>) src(%dma_wait3A_85 : memref<16x128xf32, #tpu.memory_space<vmem_shared>>) dst(%dma_wait3A_82 : memref<16x128xf32, #tpu.memory_space<hbm>>)
        tpu.yield
      }) : () -> ()
    } else {
    }
    return
  }
}

module attributes {stable_mosaic.version = 14 : i64} {
  func.func @_dense_kernel(%arg0: i32, %arg1: memref<2000x128xf32, #tpu.memory_space<vmem>>, %arg2: memref<2x2000x128xf32, #tpu.memory_space<vmem>>, %arg3: memref<128x128xf32, #tpu.memory_space<vmem>>, %arg4: memref<128x128xf32, #tpu.memory_space<vmem>>, %arg5: memref<2000x128xf32, #tpu.memory_space<vmem>>) attributes {dimension_semantics = [#tpu.dimension_semantics<arbitrary>], iteration_bounds = array<i64: 5>, scalar_prefetch = 0 : i64, scratch_operands = 0 : i64, tpu.core_type = #tpu.core_type<tc>, window_params = [{transform_indices = @transform_0, window_bounds = array<i64: 2000, 128>}, {transform_indices = @transform_1, window_bounds = array<i64: 2, 2000, 128>}, {pipeline_mode = #tpu.pipeline_mode<synchronous>, transform_indices = @transform_2, window_bounds = array<i64: 128, 128>}, {pipeline_mode = #tpu.pipeline_mode<synchronous>, transform_indices = @transform_3, window_bounds = array<i64: 128, 128>}, {transform_indices = @transform_4, window_bounds = array<i64: 2000, 128>}]} {
    %get3A = arith.constant 0 : index
    %get3A_0 = arith.constant 0 : index
    %get3A_1 = arith.constant 0 : index
    %get3A_2 = vector.load %arg2[%get3A, %get3A_0, %get3A_1] : memref<2x2000x128xf32, #tpu.memory_space<vmem>>, vector<1x2000x128xf32>
    %get3A_3 = vector.shape_cast %get3A_2 : vector<1x2000x128xf32> to vector<2000x128xf32>
    %get3A_4 = arith.constant 1 : index
    %get3A_5 = arith.constant 0 : index
    %get3A_6 = arith.constant 0 : index
    %get3A_7 = vector.load %arg2[%get3A_4, %get3A_5, %get3A_6] : memref<2x2000x128xf32, #tpu.memory_space<vmem>>, vector<1x2000x128xf32>
    %get3A_8 = vector.shape_cast %get3A_7 : vector<1x2000x128xf32> to vector<2000x128xf32>
    %add3A = arith.addf %get3A_3, %get3A_8 : vector<2000x128xf32>
    %get3A_9 = arith.constant 0 : index
    %get3A_10 = arith.constant 0 : index
    %get3A_11 = vector.load %arg1[%get3A_9, %get3A_10] : memref<2000x128xf32, #tpu.memory_space<vmem>>, vector<2000x128xf32>
    %get3A_12 = arith.constant 0 : index
    %get3A_13 = arith.constant 0 : index
    %get3A_14 = vector.load %arg3[%get3A_12, %get3A_13] : memref<128x128xf32, #tpu.memory_space<vmem>>, vector<128x128xf32>
    %dot_general3A = arith.constant dense<0.000000e+00> : vector<2000x128xf32>
    %dot_general3A_15 = tpu.matmul %get3A_11, %get3A_14, %dot_general3A {dimension_numbers = #tpu.dot_dimension_numbers<[1], [1], [0], [0], [0, 0, 1, 0], [], []>, transpose_lhs_hint = false} : vector<2000x128xf32>, vector<128x128xf32>, vector<2000x128xf32> -> vector<2000x128xf32>
    %get3A_16 = arith.constant 0 : index
    %get3A_17 = arith.constant 0 : index
    %get3A_18 = vector.load %arg4[%get3A_16, %get3A_17] : memref<128x128xf32, #tpu.memory_space<vmem>>, vector<128x128xf32>
    %dot_general3A_19 = arith.constant dense<0.000000e+00> : vector<2000x128xf32>
    %dot_general3A_20 = tpu.matmul %add3A, %get3A_18, %dot_general3A_19 {dimension_numbers = #tpu.dot_dimension_numbers<[1], [1], [0], [0], [0, 0, 1, 0], [], []>, transpose_lhs_hint = false} : vector<2000x128xf32>, vector<128x128xf32>, vector<2000x128xf32> -> vector<2000x128xf32>
    %add3A_21 = arith.addf %dot_general3A_15, %dot_general3A_20 : vector<2000x128xf32>
    %max3A = arith.constant 0.000000e+00 : f32
    %max3A_22 = vector.broadcast %max3A : f32 to vector<2000x128xf32>
    %max3A_23 = arith.maximumf %add3A_21, %max3A_22 : vector<2000x128xf32>
    %swap3A = arith.constant 0 : index
    %swap3A_24 = arith.constant 0 : index
    %swap3A_25 = vector.load %arg5[%swap3A, %swap3A_24] : memref<2000x128xf32, #tpu.memory_space<vmem>>, vector<2000x128xf32>
    tpu.vector_store %arg5[%swap3A, %swap3A_24], %max3A_23 {strides = array<i32>} : memref<2000x128xf32, #tpu.memory_space<vmem>>, vector<2000x128xf32>,
    return
  }
  func.func @transform_0(%arg0: i32) -> (i32, i32) {
    %c0_i32 = arith.constant 0 : i32
    %c0_i32_0 = arith.constant 0 : i32
    return %arg0, %c0_i32 : i32, i32
  }
  func.func @transform_1(%arg0: i32) -> (i32, i32, i32) {
    %c0_i32 = arith.constant 0 : i32
    %c0_i32_0 = arith.constant 0 : i32
    %c0_i32_1 = arith.constant 0 : i32
    return %c0_i32, %arg0, %c0_i32_0 : i32, i32, i32
  }
  func.func @transform_2(%arg0: i32) -> (i32, i32) {
    %c0_i32 = arith.constant 0 : i32
    %c0_i32_0 = arith.constant 0 : i32
    %c0_i32_1 = arith.constant 0 : i32
    return %c0_i32, %c0_i32_0 : i32, i32
  }
  func.func @transform_3(%arg0: i32) -> (i32, i32) {
    %c0_i32 = arith.constant 0 : i32
    %c0_i32_0 = arith.constant 0 : i32
    %c0_i32_1 = arith.constant 0 : i32
    return %c0_i32, %c0_i32_0 : i32, i32
  }
  func.func @transform_4(%arg0: i32) -> (i32, i32) {
    %c0_i32 = arith.constant 0 : i32
    %c0_i32_0 = arith.constant 0 : i32
    return %arg0, %c0_i32 : i32, i32
  }
}

</mosaic_0001>

<sc_bundles>
// kernel: kernel.4.cloned.1.call-start
scs
__scs_entry_jumppad:
0x0: {  	(pc) =	sbr.rel $0x88, $3  }
0x1: {  	(tag) =	ssettag $0x0;
	lr =	simm.s32 $0x1  }
0x2: {  	[smem:$0x3F9D] =	sst lr;
	_ =	strace $0xD0000000  }
0x3: {  	_ = 	snop  }
0x4: {  	_ = 	snop  }
0x5: {  	_ = 	snop  }
0x6: {  	_ = 	snop  }
0x7: {  	_ = 	snop  }
__scs_overlays_trampoline_lowered:
0x8: {  	[smem:$0x3FAC] =	sst s0  }
0x9: {  	[smem:$0x3FAD] =	sst s1  }
0xa: {  	[smem:$0x3FAE] =	sst s2  }
0xb: {  	[smem:$0x3FAF] =	sst s3  }
0xc: {  	[smem:$0x3FB0] =	sst s4  }
0xd: {  	[smem:$0x3FB1] =	sst s5  }
0xe: {  	[smem:$0x3FB2] =	sst s6  }
0xf: {  	[smem:$0x3FB3] =	sst s7  }
0x10: {  	[smem:$0x3FB4] =	sst s8  }
0x11: {  	[smem:$0x3FB5] =	sst s9;
	s0 =	simm.s32 @!p0 $0x0  }
0x12: {  	s1 =	sld [smem:$0x3F9B];
	s0 =	simm.s32 @p0 $0x1  }
0x13: {  	[smem:$0x3FB6] =	sst s0;
	s0 =	simm.s32 @!p1 $0x0  }
0x14: {  	s2 =	sld [smem:$0x3F9A];
	s0 =	simm.s32 @p1 $0x1  }
0x15: {  	[smem:$0x3FB7] =	sst s0;
	s0 =	simm.s32 @!p2 $0x0  }
0x16: {  	s3 =	sld [smem:$0x3FDB];
	s0 =	simm.s32 @p2 $0x1  }
0x17: {  	s4 =	simm.s32 $0x1BF5;
	[smem:$0x3FB9] =	sst s0  }
0x18: {  	s0 =	sld [smem:$0x3F9C];
	_ =	swait.ge [sflag:s4], $0x0  }
0x19: {  	s7 =	sld [smem:$0x3F9D]  }
0x1a: {  	s8 =	sadd.s32 $0xFFFFE003, lr  }
0x1b: {  	s9 =	sadd.s32 $0xFFFFFEF7, lr;
	s5 =	simm.s32 $0xFFFFFFFF;
	p2 =	slt.u32 s8, $0xFFFFF086  }
0x1c: {  	p1 =	slt.u32 s9, $0xF7A;
	s5 =	simm.s32 @!p2 $0x0  }
0x1d: {  	s5 =	simm.s32 @p1 $0x1;
	p0 =	seq.s32 s7, s2  }
0x1e: {  	s7 =	smul.u32 @!p0 $0xF7A, s2;
	p2 =	seq.s32 @!p0 s5, $0x0  }
0x1f: {  	s9 =	smul.u32 $0xF7A, s1;
	s8 =	simm.s32 @!p0 $0x1BF5;
	p2 =	por !p2, p0  }
0x20: {  	[sflag:s8] =	ssyncset.s32 @!p0 $0xFFFFF086;
	s6 =	sadd.s32 @!p0 s3, s7;
	s7 =	simm.s32 @!p0 $0x108  }
0x21: {  	s3 =	sadd.s32 s3, s9;
	s6 =	sadd.s32 @!p0 $0x88, s6;
	s7 =	simm.s32 @p2 $0x1082  }
0x22: {  	[simem:s7], [sflag:s8] =	dma.local @!p0 [hbm:s6], $0xF7A  }
0x23: {  	s9 =	sor.u32 $0xD0000000, s2;
	s6 =	simm.s32 $0x108;
	_ =	swait.ge @!p0 [sflag:s8], $0x0  }
0x24: {  	s3 =	sadd.s32 $0x88, s3;
	s6 =	simm.s32 @!p1 $0x1082;
	[sflag:s4] =	ssyncset.s32 $0xFFFFF086  }
0x25: {  	[simem:s6], [sflag:s4] =	dma.local [hbm:s3], $0xF7A  }
0x26: {  	[smem:$0x3F9D] =	sst s1;
	(tag) =	ssettag s2;
	_ =	strace s9  }
0x27: {  	s1 =	sld [smem:$0x3FAD]  }
0x28: {  	s2 =	sld [smem:$0x3FAE]  }
0x29: {  	s4 =	sld [smem:$0x3FB0]  }
0x2a: {  	p0 =	seq.s32 s5, $0x0;
	s5 =	sld [smem:$0x3FB1]  }
0x2b: {  	s6 =	sld [smem:$0x3FB2]  }
0x2c: {  	s7 =	sld [smem:$0x3FB3]  }
0x2d: {  	s3 =	simm.s32 $0x108;
	s8 =	sld [smem:$0x3FB4]  }
0x2e: {  	s3 =	simm.s32 @!p0 $0x1082;
	s9 =	sld [smem:$0x3FB5]  }
0x2f: {  	lr =	sadd.s32 s0, s3;
	s0 =	sld [smem:$0x3FAC]  }
0x30: {  	s3 =	sld [smem:$0x3FAF]  }
0x31: {  	[smem:$0x3FB8] =	sst s10  }
0x32: {  	s10 =	sld [smem:$0x3FB6];
	_ =	sdelay $0x3  }
0x33: {  	p0 =	seq.s32 s10, $0x1;
	s10 =	sld [smem:$0x3FB8];
	_ =	sdelay $0x3  }
0x34: {  	[smem:$0x3FB8] =	sst s10  }
0x35: {  	s10 =	sld [smem:$0x3FB7];
	_ =	sdelay $0x3  }
0x36: {  	p1 =	seq.s32 s10, $0x1;
	s10 =	sld [smem:$0x3FB8];
	_ =	sdelay $0x3  }
0x37: {  	[smem:$0x3FB8] =	sst s10  }
0x38: {  	s10 =	sld [smem:$0x3FB9]  }
0x39: {  	_ = 	snop;
	(pc) =	sbr.ind lr, $3  }
0x3a: {  	_ = 	snop  }
0x3b: {  	_ = 	snop  }
0x3c: {  	p2 =	seq.s32 s10, $0x1;
	s10 =	sld [smem:$0x3FB8]  }
0x3d: {  	_ =	shalt  }
0x3e: {  	_ =	shalt  }
0x3f: {  	_ =	shalt  }
0x40: {  	_ =	shalt  }
0x41: {  	_ =	shalt  }
0x42: {  	_ =	shalt  }
0x43: {  	_ =	shalt  }
0x44: {  	_ =	shalt  }
0x45: {  	_ =	shalt  }
0x46: {  	_ =	shalt  }
0x47: {  	_ =	shalt  }
0x48: {  	_ =	shalt  }
0x49: {  	_ =	shalt  }
0x4a: {  	_ =	shalt  }
0x4b: {  	_ =	shalt  }
0x4c: {  	_ =	shalt  }
0x4d: {  	_ =	shalt  }
0x4e: {  	_ =	shalt  }
0x4f: {  	_ =	shalt  }
0x50: {  	_ =	shalt  }
0x51: {  	_ =	shalt  }
0x52: {  	_ =	shalt  }
0x53: {  	_ =	shalt  }
0x54: {  	_ =	shalt  }
0x55: {  	_ =	shalt  }
0x56: {  	_ =	shalt  }
0x57: {  	_ =	shalt  }
0x58: {  	_ =	shalt  }
0x59: {  	_ =	shalt  }
0x5a: {  	_ =	shalt  }
0x5b: {  	_ =	shalt  }
0x5c: {  	_ =	shalt  }
0x5d: {  	_ =	shalt  }
0x5e: {  	_ =	shalt  }
0x5f: {  	_ =	shalt  }
0x60: {  	_ =	shalt  }
0x61: {  	_ =	shalt  }
0x62: {  	_ =	shalt  }
0x63: {  	_ =	shalt  }
0x64: {  	_ =	shalt  }
0x65: {  	_ =	shalt  }
0x66: {  	_ =	shalt  }
0x67: {  	_ =	shalt  }
0x68: {  	_ =	shalt  }
0x69: {  	_ =	shalt  }
0x6a: {  	_ =	shalt  }
0x6b: {  	_ =	shalt  }
0x6c: {  	_ =	shalt  }
0x6d: {  	_ =	shalt  }
0x6e: {  	_ =	shalt  }
0x6f: {  	_ =	shalt  }
0x70: {  	_ =	shalt  }
0x71: {  	_ =	shalt  }
0x72: {  	_ =	shalt  }
0x73: {  	_ =	shalt  }
0x74: {  	_ =	shalt  }
0x75: {  	_ =	shalt  }
0x76: {  	_ =	shalt  }
0x77: {  	_ =	shalt  }
0x78: {  	_ =	shalt  }
0x79: {  	_ =	shalt  }
0x7a: {  	_ =	shalt  }
0x7b: {  	_ =	shalt  }
0x7c: {  	_ =	shalt  }
0x7d: {  	_ =	shalt  }
0x7e: {  	_ =	shalt  }
0x7f: {  	_ =	shalt  }
0x80: {  	_ =	shalt  }
0x81: {  	_ =	shalt  }
0x82: {  	_ =	shalt  }
0x83: {  	_ =	shalt  }
0x84: {  	_ =	shalt  }
0x85: {  	_ =	shalt  }
0x86: {  	_ =	shalt  }
0x87: {  	_ =	shalt  }
.Lfunc_end0:
.L_simem_size_0:
called_computation_lowered:
.L_overlay_start_0:
0x88: {  	s2 =	sld [smem:$0x3FD9]  }
0x89: {  	s3 =	sld [smem:$0x3FFE];
	_ =	sdelay $0x1  }
0x8a: {  	s1 =	srdreg.scid  }
0x8b: {  	s0 =	sand.u32 $0x1, s1  }
0x8c: {  	s17 =	sshll.u32 s0, $0xA;
	s2 =	sadd.s32 s3, s2  }
0x8d: {  	s2 =	sadd.s32 s2, s17  }
0x8e: {  	[smem:$0x3FC4] =	sst s2  }
0x8f: {  	_ = 	snop  }
0x90: {  	s2 =	sld [smem:$0x3FC9]  }
0x91: {  	s18 =	sld [smem:$0x3FD0];
	(tm) =	ssettm $0x1  }
0x92: {  	s4 =	sld [smem:$0x3FFB];
	_ =	sdelay $0x3  }
0x93: {  	_ =	strace s4  }
0x94: {  	s4 =	sld [smem:$0x3FFC];
	_ =	sdelay $0x3  }
0x95: {  	_ =	strace s4  }
0x96: {  	s4 =	sld [smem:$0x3FFD];
	_ =	sdelay $0x3  }
0x97: {  	_ =	strace s4  }
0x98: {  	_ =	strace $0x8FFFFFFF  }
0x99: {  	s19 =	sld [smem:$0x3FDB];
	_ =	sdelay $0x1  }
0x9a: {  	s5 =	simm.s32 $_scs_section_size  }
0x9b: {  	s6 =	simm.s32 $_size__tile_overlayer_lowered;
	s7 =	simm.s32 $_tile_overlayer_lowered  }
0x9c: {  	s22 =	simm.s32 $0x1BFF;
	s21 =	sshll.u32 s7, $0x1;
	s4 =	sadd.s32 s5, s19  }
0x9d: {  	s8 =	simm.s32 $0x0;
	s20 =	sshll.u32 s6, $0x1;
	s6 =	sadd.s32 s21, s4  }
0x9e: {  	[timem:s8], [sflag:s22] =	dma.local [hbm:s6], s20  }
0x9f: {  	_ =	swait.ge [sflag:s22], s20  }
0xa0: {  	s5 =	ssub.s32 $0x0, s20;
	[sflag:s22] =	ssyncset.done $0x0  }
0xa1: {  	[sflag:s22] =	ssyncadd.s32 s5;
	_ =	sdelay $0x1  }
0xa2: {  	s23 =	simm.s32 $0x1B8B  }
0xa3: {  	_ =	swait.ge [sflag:s23], $0x1  }
0xa4: {  	[sflag:s23] =	ssyncset.done $0x0  }
0xa5: {  	s25 =	simm.s32 $0x1B8E;
	s24 =	sld [smem:$0x3FFE];
	[sflag:s23] =	ssyncadd.s32 $0xFFFFFFFF  }
0xa6: {  	s26 =	simm.s32 $execute0_lowered;
	[smem:$0x3FD2] =	sst s25  }
0xa7: {  	s6 =	sshll.u32 s26, $0x1;
	_ =	strace $0x80000046;
	[dreg:$0x1] =	wrdreg $0xFFFFFFFF  }
0xa8: {  	s28 =	simm.s32 $_size_execute0_lowered;
	s4 =	sadd.s32 s4, s6;
	[dreg:$0x0] =	wrdreg $0x0  }
0xa9: {  	s6 =	sshll.u32 s28, $0x1;
	[dreg:$0x2] =	wrdreg s4  }
0xaa: {  	[dreg:$0x3] =	wrdreg s6  }
0xab: {  	[dreg:$0x4] =	wrdreg $0xC0  }
0xac: {  	_ =	task [dreg:s8], $0x5FFFF  }
0xad: {  	[dreg:$0x1] =	wrdreg $0xFFFFFFFF  }
0xae: {  	[dreg:$0x0] =	wrdreg $0x60  }
0xaf: {  	[dreg:$0x2] =	wrdreg s2  }
0xb0: {  	[dreg:$0x3] =	wrdreg s18  }
0xb1: {  	[dreg:$0x4] =	wrdreg s24  }
0xb2: {  	[dreg:$0x5] =	wrdreg $0xA8000  }
0xb3: {  	[dreg:$0x6] =	wrdreg $0x9  }
0xb4: {  	_ =	task.clear_ibuf [dreg:s8], $0x7FFFF;
	_ =	strace $0x90000046  }
0xb5: {  	s29 =	simm.s32 $0x9;
	_ =	strace $0x80000048  }
0xb6: {  	_ =	swait.ge [sflag:s29], $0x1  }
0xb7: {  	[sflag:s29] =	ssyncadd.s32 $0xFFFFFFFF  }
0xb8: {  	_ =	strace $0x90000048  }
0xb9: {  	_ =	sfence  }
0xba: {  	s30 =	sld [smem:$0x0];
	_ =	sdelay $0x2  }
0xbb: {  	s31 =	sshll.u32 s1, $0xD;
	s1 =	sshrl.u32 s1, $0x2  }
0xbc: {  	s3 =	sand.u32 $0x4000, s31;
	s1 =	sadd.s32 s1, s30  }
0xbd: {  	s0 =	sor.u32 s3, s0;
	s1 =	sshll.u32 s1, $0x11  }
0xbe: {  	s0 =	sor.u32 s1, s0  }
0xbf: {  	s0 =	sadd.s32 $0x8F2B, s0  }
0xc0: {  	[sflag:s0] =	ssyncadd.remote.s32 $0x1  }
0xc1: {  	_ =	sfence.sel $0xFFFF  }
0xc2: {  	[dreg:$0x0] =	wrdreg $0xFFFFFFFF;
	(pc) =	sbr.abs _section_cstart, $3  }
0xc3: {  	[dreg:$0x1] =	wrdreg $0xFFFFFFFF  }
0xc4: {  	_ =	task.clear_ibuf [dreg:s8], $0x2FFFF;
	_ =	strace $0x9FFFFFFF  }
0xc5: {  	(tm) =	ssettm $0x7FFFFFFF  }
tec
execute0_lowered:
.L_overlay_start_1:
0x0: {  	(tag) =	ssettag $0x1  }
0x1: {  	s1 =	rddreg [dreg:$0x0]  }
0x2: {  	s9 =	rddreg [dreg:$0x1]  }
0x3: {  	s6 =	rddreg [dreg:$0x2]  }
0x4: {  	s2 =	rddreg [dreg:$0x3]  }
0x5: {  	s3 =	srdreg.scid;
	s0 =	rddreg [dreg:$0x4];
	s4 =	simm.s32 $0x0  }
0x6: {  	s19 =	simm.s32 $0x2;
	s20 =	simm.s32 $0x7D;
	s21 =	simm.s32 $0x2800  }
0x7: {  	s22 =	simm.s32 $0x80;
	s8 =	sand.u32 $0x1, s3;
	s3 =	stileid.u32  }
0x8: {  	[smem:$0x7FF] =	sst s4;
	s12 =	sadd.s32 $0xA00, s6;
	s15 =	sadd.s32 $0xD200, s6  }
0x9: {  	s17 =	sadd.s32 $0x138000, s2;
	s5 =	sshll.u32 s8, $0x4;
	s14 =	smul.u32 $0x4E000, s3  }
0xa: {  	_ =	strace $0x80000047;
	s10 =	ssub.s32 $0x2, s8;
	s25 =	smul.u32 $0x138800, s8  }
0xb: {  	s26 =	sshll.u32 s3, $0x6;
	s29 =	smul.u32 $0x13800, s3;
	p0 =	sne.s32 s3, $0xF  }
0xc: {  	s7 =	sor.u32 s3, s5;
	s13 =	sshrl.u32 s10, $0x1;
	s5 =	sadd.s32 $0xAA00, s6  }
0xd: {  	s8 =	sor.u32 $0x1C03, s26;
	s17 =	sshrl.u32 @!p0 s17, $0x3;
	s11 =	smul.u32 $0x500, s7  }
0xe: {  	s13 =	ssub.s32 s10, s13;
	s23 =	sshrl.u32 s14, $0x2;
	s24 =	smul.u32 $0x2800, s7  }
0xf: {  	s14 =	sadd.s32 s29, s25;
	s18 =	sshrl.u32 s25, $0x3;
	s16 =	sadd.s32 s23, s2  }
0x10: {  	s30 =	sshrl.u32 s14, $0x3;
	s31 =	sadd.s32 s15, s18;
	s13 =	smax.u32 s13, $0x1  }
.Ltmp0:
0x11: {  	s14 =	simm.s32 $0x1400;
	s18 =	simm.s32 $0x1;
	(pc) =	sbr.rel .LBB2_1-.Ltmp0, $4  }
0x12: {  	s23 =	simm.s32 $0x6800;
	s6 =	sadd.s32 s9, s11;
	s28 =	sshrl.u32 s24, $0x3  }
0x13: {  	s7 =	sadd.s32 s12, s11;
	s24 =	simm.s32 $0x0;
	s11 =	sadd.s32 $0x280, s28  }
0x14: {  	s9 =	sadd.s32 s9, s11;
	s10 =	sadd.s32 s12, s11;
	s11 =	sadd.s32 s15, s30  }
0x15: {  	s12 =	sadd.s32 $0x27000, s31;
	s15 =	sshrl.u32 s16, $0x3;
	s16 =	simm.s32 $0x3  }
.LBB2_7:
0x16: {  	_ =	swait.ge [sflag:s19], $0x3E80  }
0x17: {  	[sflag:s19] =	ssyncset.done $0x0  }
0x18: {  	[sflag:s19] =	ssyncadd.s32 $0xFFFFC180  }
0x19: {  	[spmem:s2] =	stream.indirect.scatter.add.f32 [tilespmem:s23], [sflag:$0x3], $0x80, s28, s20, $0xb8;
	[tilespmem:$0x1E080] =	vst v63  }
0x1a: {  	_ =	swait.ge [sflag:s16], $0x3E80  }
0x1b: {  	[sflag:s16] =	ssyncset.done $0x0  }
0x1c: {  	[sflag:s16] =	ssyncadd.s32 $0xFFFFC180  }
0x1d: {  	[bflag:$0x0] =	sbarrier.arrive $0xFFFF  }
0x1e: {  	[hbm:s11], [sflag:s8] =	dma.local [spmem:s15], $0x2700  }
0x1f: {  	s24 =	sadd.s32 $0x1, s24;
	_ =	swait.ge [sflag:s16], $0x2700  }
0x20: {  	p1 =	sne.s32 s24, s13;
	[sflag:s16] =	ssyncset.done $0x0  }
.Ltmp1:
0x21: {  	s25 =	simm.s32 @!p0 $0x3;
	[sflag:s16] =	ssyncadd.s32 $0xFFFFD900;
	(pc) =	sbr.rel @!p1 .LBB2_8-.Ltmp1, $4  }
0x22: {  	[hbm:s12], [sflag:s8] =	dma.local @!p0 [spmem:s17], $0x100  }
0x23: {  	_ =	swait.ge @!p0 [sflag:s25], $0x100  }
0x24: {  	[sflag:s25] =	ssyncset.done @!p0 $0x0  }
0x25: {  	[sflag:s25] =	ssyncadd.s32 @!p0 $0xFFFFFF00  }
.LBB2_1:
0x26: {  	[tilespmem:s4], [sflag:$0x1] =	stream.linear.gather [hbm4b:s6+s4], $0x1400, $0x38;
	[tilespmem:$0x1E080] =	vst v63  }
0x27: {  	_ = 	snop  }
0x28: {  	[tilespmem:s14], [sflag:$0x2] =	stream.linear.gather [hbm4b:s7+s4], $0x1400, $0x38;
	[tilespmem:$0x1E080] =	vst v63  }
0x29: {  	[spmem:s15], [sflag:s8] =	dma.local [hbm:s5], $0x2700  }
0x2a: {  	_ =	swait.ge [sflag:s16], $0x2700  }
0x2b: {  	[sflag:s16] =	ssyncset.done $0x0  }
0x2c: {  	s25 =	simm.s32 @!p0 $0x3;
	[sflag:s16] =	ssyncadd.s32 $0xFFFFD900  }
0x2d: {  	[spmem:s17], [sflag:s8] =	dma.local @!p0 [hbm:s5], $0x100  }
0x2e: {  	_ =	swait.ge @!p0 [sflag:s25], $0x100  }
0x2f: {  	[sflag:s25] =	ssyncset.done @!p0 $0x0  }
0x30: {  	[sflag:s25] =	ssyncadd.s32 @!p0 $0xFFFFFF00  }
0x31: {  	[bflag:$0x0] =	sbarrier.arrive $0xFFFF  }
0x32: {  	_ =	swait.ge [sflag:s18], $0x1400  }
0x33: {  	[sflag:s18] =	ssyncset.done $0x0  }
0x34: {  	[sflag:s18] =	ssyncadd.s32 $0xFFFFEC00  }
0x35: {  	_ =	swait.ge [sflag:s19], $0x1400  }
0x36: {  	[sflag:s19] =	ssyncset.done $0x0  }
0x37: {  	[sflag:s19] =	ssyncadd.s32 $0xFFFFEC00  }
0x38: {  	[tilespmem:s21], [sflag:$0x1] =	stream.indirect.gather [hbm4b:s1+s20], $0x80, s4, s20, $0xb8;
	[tilespmem:$0x1E080] =	vst v63  }
0x39: {  	s25 =	simm.s32 $0x0  }
0x3a: {  	[tilespmem:s23], [sflag:$0x2] =	stream.indirect.gather [hbm4b:s1+s20], $0x80, s22, s20, $0xb8;
	[tilespmem:$0x1E080] =	vst v63  }
.LBB2_2:
0x3b: {  	_ =	swait.ge [sflag:s18], $0x3E80  }
0x3c: {  	s26 =	sshra.s32 s25, $0x2;
	[sflag:s18] =	ssyncset.done $0x0  }
0x3d: {  	s28 =	sadd.s32 $0x1400, s26;
	[sflag:s18] =	ssyncadd.s32 $0xFFFFC180  }
0x3e: {  	[spmem:s2] =	stream.indirect.scatter.add.f32 [tilespmem:s21], [sflag:$0x3], $0x80, s28, s20, $0xb8;
	[tilespmem:$0x1E080] =	vst v63  }
0x3f: {  	_ =	swait.ge [sflag:s16], $0x3E80  }
0x40: {  	[sflag:s16] =	ssyncset.done $0x0  }
0x41: {  	s28 =	sadd.s32 $0x100, s26;
	[sflag:s16] =	ssyncadd.s32 $0xFFFFC180  }
0x42: {  	[tilespmem:s21], [sflag:$0x1] =	stream.indirect.gather [hbm4b:s1+s20], $0x80, s28, s20, $0xb8;
	[tilespmem:$0x1E080] =	vst v63  }
0x43: {  	_ =	swait.ge [sflag:s19], $0x3E80  }
0x44: {  	[sflag:s19] =	ssyncset.done $0x0  }
0x45: {  	s28 =	sadd.s32 $0x1480, s26;
	[sflag:s19] =	ssyncadd.s32 $0xFFFFC180  }
0x46: {  	[spmem:s2] =	stream.indirect.scatter.add.f32 [tilespmem:s23], [sflag:$0x3], $0x80, s28, s20, $0xb8;
	[tilespmem:$0x1E080] =	vst v63  }
0x47: {  	_ =	swait.ge [sflag:s16], $0x3E80  }
0x48: {  	[sflag:s16] =	ssyncset.done $0x0  }
0x49: {  	s28 =	sadd.s32 $0x180, s26;
	[sflag:s16] =	ssyncadd.s32 $0xFFFFC180  }
0x4a: {  	[tilespmem:s23], [sflag:$0x2] =	stream.indirect.gather [hbm4b:s1+s20], $0x80, s28, s20, $0xb8;
	[tilespmem:$0x1E080] =	vst v63  }
0x4b: {  	_ =	swait.ge [sflag:s18], $0x3E80  }
0x4c: {  	[sflag:s18] =	ssyncset.done $0x0  }
0x4d: {  	s28 =	sadd.s32 $0x1500, s26;
	[sflag:s18] =	ssyncadd.s32 $0xFFFFC180  }
0x4e: {  	[spmem:s2] =	stream.indirect.scatter.add.f32 [tilespmem:s21], [sflag:$0x3], $0x80, s28, s20, $0xb8;
	[tilespmem:$0x1E080] =	vst v63  }
0x4f: {  	_ =	swait.ge [sflag:s16], $0x3E80  }
0x50: {  	[sflag:s16] =	ssyncset.done $0x0  }
0x51: {  	s28 =	sadd.s32 $0x200, s26;
	[sflag:s16] =	ssyncadd.s32 $0xFFFFC180  }
0x52: {  	[tilespmem:s21], [sflag:$0x1] =	stream.indirect.gather [hbm4b:s1+s20], $0x80, s28, s20, $0xb8;
	[tilespmem:$0x1E080] =	vst v63  }
0x53: {  	_ =	swait.ge [sflag:s19], $0x3E80  }
0x54: {  	[sflag:s19] =	ssyncset.done $0x0  }
0x55: {  	s28 =	sadd.s32 $0x1580, s26;
	[sflag:s19] =	ssyncadd.s32 $0xFFFFC180  }
0x56: {  	[spmem:s2] =	stream.indirect.scatter.add.f32 [tilespmem:s23], [sflag:$0x3], $0x80, s28, s20, $0xb8;
	[tilespmem:$0x1E080] =	vst v63  }
0x57: {  	_ =	swait.ge [sflag:s16], $0x3E80  }
0x58: {  	[sflag:s16] =	ssyncset.done $0x0  }
0x59: {  	s28 =	sadd.s32 $0x280, s26;
	[sflag:s16] =	ssyncadd.s32 $0xFFFFC180  }
0x5a: {  	[tilespmem:s23], [sflag:$0x2] =	stream.indirect.gather [hbm4b:s1+s20], $0x80, s28, s20, $0xb8;
	[tilespmem:$0x1E080] =	vst v63  }
0x5b: {  	_ =	swait.ge [sflag:s18], $0x3E80  }
0x5c: {  	[sflag:s18] =	ssyncset.done $0x0  }
0x5d: {  	s28 =	sadd.s32 $0x1600, s26;
	[sflag:s18] =	ssyncadd.s32 $0xFFFFC180  }
0x5e: {  	[spmem:s2] =	stream.indirect.scatter.add.f32 [tilespmem:s21], [sflag:$0x3], $0x80, s28, s20, $0xb8;
	[tilespmem:$0x1E080] =	vst v63  }
0x5f: {  	_ =	swait.ge [sflag:s16], $0x3E80  }
0x60: {  	[sflag:s16] =	ssyncset.done $0x0  }
0x61: {  	s28 =	sadd.s32 $0x300, s26;
	[sflag:s16] =	ssyncadd.s32 $0xFFFFC180  }
0x62: {  	[tilespmem:s21], [sflag:$0x1] =	stream.indirect.gather [hbm4b:s1+s20], $0x80, s28, s20, $0xb8;
	[tilespmem:$0x1E080] =	vst v63  }
0x63: {  	_ =	swait.ge [sflag:s19], $0x3E80  }
0x64: {  	[sflag:s19] =	ssyncset.done $0x0  }
0x65: {  	s28 =	sadd.s32 $0x1680, s26;
	[sflag:s19] =	ssyncadd.s32 $0xFFFFC180  }
0x66: {  	[spmem:s2] =	stream.indirect.scatter.add.f32 [tilespmem:s23], [sflag:$0x3], $0x80, s28, s20, $0xb8;
	[tilespmem:$0x1E080] =	vst v63  }
0x67: {  	_ =	swait.ge [sflag:s16], $0x3E80  }
0x68: {  	[sflag:s16] =	ssyncset.done $0x0  }
0x69: {  	s28 =	sadd.s32 $0x380, s26;
	[sflag:s16] =	ssyncadd.s32 $0xFFFFC180  }
0x6a: {  	[tilespmem:s23], [sflag:$0x2] =	stream.indirect.gather [hbm4b:s1+s20], $0x80, s28, s20, $0xb8;
	[tilespmem:$0x1E080] =	vst v63  }
0x6b: {  	_ =	swait.ge [sflag:s18], $0x3E80  }
0x6c: {  	[sflag:s18] =	ssyncset.done $0x0  }
0x6d: {  	s28 =	sadd.s32 $0x1700, s26;
	[sflag:s18] =	ssyncadd.s32 $0xFFFFC180  }
0x6e: {  	[spmem:s2] =	stream.indirect.scatter.add.f32 [tilespmem:s21], [sflag:$0x3], $0x80, s28, s20, $0xb8;
	[tilespmem:$0x1E080] =	vst v63  }
0x6f: {  	_ =	swait.ge [sflag:s16], $0x3E80  }
0x70: {  	[sflag:s16] =	ssyncset.done $0x0  }
0x71: {  	s28 =	sadd.s32 $0x400, s26;
	[sflag:s16] =	ssyncadd.s32 $0xFFFFC180  }
0x72: {  	[tilespmem:s21], [sflag:$0x1] =	stream.indirect.gather [hbm4b:s1+s20], $0x80, s28, s20, $0xb8;
	[tilespmem:$0x1E080] =	vst v63  }
0x73: {  	_ =	swait.ge [sflag:s19], $0x3E80  }
0x74: {  	[sflag:s19] =	ssyncset.done $0x0  }
0x75: {  	s28 =	sadd.s32 $0x1780, s26;
	[sflag:s19] =	ssyncadd.s32 $0xFFFFC180  }
0x76: {  	[spmem:s2] =	stream.indirect.scatter.add.f32 [tilespmem:s23], [sflag:$0x3], $0x80, s28, s20, $0xb8;
	[tilespmem:$0x1E080] =	vst v63  }
0x77: {  	_ =	swait.ge [sflag:s16], $0x3E80  }
0x78: {  	[sflag:s16] =	ssyncset.done $0x0  }
0x79: {  	s28 =	sadd.s32 $0x480, s26;
	[sflag:s16] =	ssyncadd.s32 $0xFFFFC180  }
0x7a: {  	[tilespmem:s23], [sflag:$0x2] =	stream.indirect.gather [hbm4b:s1+s20], $0x80, s28, s20, $0xb8;
	[tilespmem:$0x1E080] =	vst v63  }
0x7b: {  	_ =	swait.ge [sflag:s18], $0x3E80  }
0x7c: {  	p1 =	seq.s32 s25, $0x3C00;
	[sflag:s18] =	ssyncset.done $0x0  }
.Ltmp2:
0x7d: {  	s28 =	sadd.s32 $0x1800, s26;
	[sflag:s18] =	ssyncadd.s32 $0xFFFFC180;
	(pc) =	sbr.rel @p1 .LBB2_4-.Ltmp2, $4  }
0x7e: {  	[spmem:s2] =	stream.indirect.scatter.add.f32 [tilespmem:s21], [sflag:$0x3], $0x80, s28, s20, $0xb8;
	[tilespmem:$0x1E080] =	vst v63  }
0x7f: {  	_ =	swait.ge [sflag:s16], $0x3E80  }
0x80: {  	[sflag:s16] =	ssyncset.done $0x0  }
0x81: {  	s28 =	sadd.s32 $0x1880, s26;
	[sflag:s16] =	ssyncadd.s32 $0xFFFFC180  }
0x82: {  	s29 =	sadd.s32 $0x500, s26  }
0x83: {  	[tilespmem:s21], [sflag:$0x1] =	stream.indirect.gather [hbm4b:s1+s20], $0x80, s29, s20, $0xb8;
	[tilespmem:$0x1E080] =	vst v63  }
0x84: {  	_ =	swait.ge [sflag:s19], $0x3E80  }
0x85: {  	[sflag:s19] =	ssyncset.done $0x0  }
0x86: {  	[sflag:s19] =	ssyncadd.s32 $0xFFFFC180  }
0x87: {  	[spmem:s2] =	stream.indirect.scatter.add.f32 [tilespmem:s23], [sflag:$0x3], $0x80, s28, s20, $0xb8;
	[tilespmem:$0x1E080] =	vst v63  }
.Ltmp3:
0x88: {  	_ = 	snop;
	(pc) =	sbr.rel .LBB2_2-.Ltmp3, $4  }
0x89: {  	_ =	swait.ge [sflag:s16], $0x3E80  }
0x8a: {  	[sflag:s16] =	ssyncset.done $0x0  }
0x8b: {  	s31 =	sadd.s32 $0x580, s26;
	s25 =	sadd.s32 $0x1400, s25;
	[sflag:s16] =	ssyncadd.s32 $0xFFFFC180  }
0x8c: {  	[tilespmem:s23], [sflag:$0x2] =	stream.indirect.gather [hbm4b:s1+s20], $0x80, s31, s20, $0xb8;
	[tilespmem:$0x1E080] =	vst v63  }
.LBB2_4:
0x8d: {  	_ =	swait.ge [sflag:s19], $0x3E80  }
0x8e: {  	[sflag:s19] =	ssyncset.done $0x0  }
0x8f: {  	[sflag:s19] =	ssyncadd.s32 $0xFFFFC180  }
0x90: {  	[spmem:s2] =	stream.indirect.scatter.add.f32 [tilespmem:s23], [sflag:$0x3], $0x80, s28, s20, $0xb8;
	[tilespmem:$0x1E080] =	vst v63  }
0x91: {  	_ =	swait.ge [sflag:s16], $0x3E80  }
0x92: {  	[sflag:s16] =	ssyncset.done $0x0  }
0x93: {  	s25 =	simm.s32 $0x0;
	[sflag:s16] =	ssyncadd.s32 $0xFFFFC180  }
0x94: {  	[tilespmem:s25], [sflag:$0x3] =	stream.linear.gather [hbm4b:s9+s25], $0x1400, $0x38;
	[tilespmem:$0x1E080] =	vst v63  }
0x95: {  	_ =	swait.ge [sflag:s16], $0x1400  }
0x96: {  	[sflag:s16] =	ssyncset.done $0x0  }
0x97: {  	[sflag:s16] =	ssyncadd.s32 $0xFFFFEC00  }
0x98: {  	[tilespmem:s14], [sflag:$0x3] =	stream.linear.gather [hbm4b:s10+s25], $0x1400, $0x38;
	[tilespmem:$0x1E080] =	vst v63  }
0x99: {  	_ =	swait.ge [sflag:s16], $0x1400  }
0x9a: {  	[sflag:s16] =	ssyncset.done $0x0  }
0x9b: {  	[sflag:s16] =	ssyncadd.s32 $0xFFFFEC00  }
0x9c: {  	[tilespmem:s21], [sflag:$0x1] =	stream.indirect.gather [hbm4b:s1+s20], $0x80, s25, s20, $0xb8;
	[tilespmem:$0x1E080] =	vst v63  }
0x9d: {  	_ = 	snop  }
0x9e: {  	[tilespmem:s23], [sflag:$0x2] =	stream.indirect.gather [hbm4b:s1+s20], $0x80, s22, s20, $0xb8;
	[tilespmem:$0x1E080] =	vst v63  }
.LBB2_5:
0x9f: {  	_ =	swait.ge [sflag:s18], $0x3E80  }
0xa0: {  	s26 =	sshra.s32 s25, $0x2;
	[sflag:s18] =	ssyncset.done $0x0  }
0xa1: {  	s28 =	sadd.s32 $0x1400, s26;
	[sflag:s18] =	ssyncadd.s32 $0xFFFFC180  }
0xa2: {  	[spmem:s2] =	stream.indirect.scatter.add.f32 [tilespmem:s21], [sflag:$0x3], $0x80, s28, s20, $0xb8;
	[tilespmem:$0x1E080] =	vst v63  }
0xa3: {  	_ =	swait.ge [sflag:s16], $0x3E80  }
0xa4: {  	[sflag:s16] =	ssyncset.done $0x0  }
0xa5: {  	s28 =	sadd.s32 $0x100, s26;
	[sflag:s16] =	ssyncadd.s32 $0xFFFFC180  }
0xa6: {  	[tilespmem:s21], [sflag:$0x1] =	stream.indirect.gather [hbm4b:s1+s20], $0x80, s28, s20, $0xb8;
	[tilespmem:$0x1E080] =	vst v63  }
0xa7: {  	_ =	swait.ge [sflag:s19], $0x3E80  }
0xa8: {  	[sflag:s19] =	ssyncset.done $0x0  }
0xa9: {  	s28 =	sadd.s32 $0x1480, s26;
	[sflag:s19] =	ssyncadd.s32 $0xFFFFC180  }
0xaa: {  	[spmem:s2] =	stream.indirect.scatter.add.f32 [tilespmem:s23], [sflag:$0x3], $0x80, s28, s20, $0xb8;
	[tilespmem:$0x1E080] =	vst v63  }
0xab: {  	_ =	swait.ge [sflag:s16], $0x3E80  }
0xac: {  	[sflag:s16] =	ssyncset.done $0x0  }
0xad: {  	s28 =	sadd.s32 $0x180, s26;
	[sflag:s16] =	ssyncadd.s32 $0xFFFFC180  }
0xae: {  	[tilespmem:s23], [sflag:$0x2] =	stream.indirect.gather [hbm4b:s1+s20], $0x80, s28, s20, $0xb8;
	[tilespmem:$0x1E080] =	vst v63  }
0xaf: {  	_ =	swait.ge [sflag:s18], $0x3E80  }
0xb0: {  	[sflag:s18] =	ssyncset.done $0x0  }
0xb1: {  	s28 =	sadd.s32 $0x1500, s26;
	[sflag:s18] =	ssyncadd.s32 $0xFFFFC180  }
0xb2: {  	[spmem:s2] =	stream.indirect.scatter.add.f32 [tilespmem:s21], [sflag:$0x3], $0x80, s28, s20, $0xb8;
	[tilespmem:$0x1E080] =	vst v63  }
0xb3: {  	_ =	swait.ge [sflag:s16], $0x3E80  }
0xb4: {  	[sflag:s16] =	ssyncset.done $0x0  }
0xb5: {  	s28 =	sadd.s32 $0x200, s26;
	[sflag:s16] =	ssyncadd.s32 $0xFFFFC180  }
0xb6: {  	[tilespmem:s21], [sflag:$0x1] =	stream.indirect.gather [hbm4b:s1+s20], $0x80, s28, s20, $0xb8;
	[tilespmem:$0x1E080] =	vst v63  }
0xb7: {  	_ =	swait.ge [sflag:s19], $0x3E80  }
0xb8: {  	[sflag:s19] =	ssyncset.done $0x0  }
0xb9: {  	s28 =	sadd.s32 $0x1580, s26;
	[sflag:s19] =	ssyncadd.s32 $0xFFFFC180  }
0xba: {  	[spmem:s2] =	stream.indirect.scatter.add.f32 [tilespmem:s23], [sflag:$0x3], $0x80, s28, s20, $0xb8;
	[tilespmem:$0x1E080] =	vst v63  }
0xbb: {  	_ =	swait.ge [sflag:s16], $0x3E80  }
0xbc: {  	[sflag:s16] =	ssyncset.done $0x0  }
0xbd: {  	s28 =	sadd.s32 $0x280, s26;
	[sflag:s16] =	ssyncadd.s32 $0xFFFFC180  }
0xbe: {  	[tilespmem:s23], [sflag:$0x2] =	stream.indirect.gather [hbm4b:s1+s20], $0x80, s28, s20, $0xb8;
	[tilespmem:$0x1E080] =	vst v63  }
0xbf: {  	_ =	swait.ge [sflag:s18], $0x3E80  }
0xc0: {  	[sflag:s18] =	ssyncset.done $0x0  }
0xc1: {  	s28 =	sadd.s32 $0x1600, s26;
	[sflag:s18] =	ssyncadd.s32 $0xFFFFC180  }
0xc2: {  	[spmem:s2] =	stream.indirect.scatter.add.f32 [tilespmem:s21], [sflag:$0x3], $0x80, s28, s20, $0xb8;
	[tilespmem:$0x1E080] =	vst v63  }
0xc3: {  	_ =	swait.ge [sflag:s16], $0x3E80  }
0xc4: {  	[sflag:s16] =	ssyncset.done $0x0  }
0xc5: {  	s28 =	sadd.s32 $0x300, s26;
	[sflag:s16] =	ssyncadd.s32 $0xFFFFC180  }
0xc6: {  	[tilespmem:s21], [sflag:$0x1] =	stream.indirect.gather [hbm4b:s1+s20], $0x80, s28, s20, $0xb8;
	[tilespmem:$0x1E080] =	vst v63  }
0xc7: {  	_ =	swait.ge [sflag:s19], $0x3E80  }
0xc8: {  	[sflag:s19] =	ssyncset.done $0x0  }
0xc9: {  	s28 =	sadd.s32 $0x1680, s26;
	[sflag:s19] =	ssyncadd.s32 $0xFFFFC180  }
0xca: {  	[spmem:s2] =	stream.indirect.scatter.add.f32 [tilespmem:s23], [sflag:$0x3], $0x80, s28, s20, $0xb8;
	[tilespmem:$0x1E080] =	vst v63  }
0xcb: {  	_ =	swait.ge [sflag:s16], $0x3E80  }
0xcc: {  	[sflag:s16] =	ssyncset.done $0x0  }
0xcd: {  	s28 =	sadd.s32 $0x380, s26;
	[sflag:s16] =	ssyncadd.s32 $0xFFFFC180  }
0xce: {  	[tilespmem:s23], [sflag:$0x2] =	stream.indirect.gather [hbm4b:s1+s20], $0x80, s28, s20, $0xb8;
	[tilespmem:$0x1E080] =	vst v63  }
0xcf: {  	_ =	swait.ge [sflag:s18], $0x3E80  }
0xd0: {  	[sflag:s18] =	ssyncset.done $0x0  }
0xd1: {  	s28 =	sadd.s32 $0x1700, s26;
	[sflag:s18] =	ssyncadd.s32 $0xFFFFC180  }
0xd2: {  	[spmem:s2] =	stream.indirect.scatter.add.f32 [tilespmem:s21], [sflag:$0x3], $0x80, s28, s20, $0xb8;
	[tilespmem:$0x1E080] =	vst v63  }
0xd3: {  	_ =	swait.ge [sflag:s16], $0x3E80  }
0xd4: {  	[sflag:s16] =	ssyncset.done $0x0  }
0xd5: {  	s28 =	sadd.s32 $0x400, s26;
	[sflag:s16] =	ssyncadd.s32 $0xFFFFC180  }
0xd6: {  	[tilespmem:s21], [sflag:$0x1] =	stream.indirect.gather [hbm4b:s1+s20], $0x80, s28, s20, $0xb8;
	[tilespmem:$0x1E080] =	vst v63  }
0xd7: {  	_ =	swait.ge [sflag:s19], $0x3E80  }
0xd8: {  	[sflag:s19] =	ssyncset.done $0x0  }
0xd9: {  	s28 =	sadd.s32 $0x1780, s26;
	[sflag:s19] =	ssyncadd.s32 $0xFFFFC180  }
0xda: {  	[spmem:s2] =	stream.indirect.scatter.add.f32 [tilespmem:s23], [sflag:$0x3], $0x80, s28, s20, $0xb8;
	[tilespmem:$0x1E080] =	vst v63  }
0xdb: {  	_ =	swait.ge [sflag:s16], $0x3E80  }
0xdc: {  	[sflag:s16] =	ssyncset.done $0x0  }
0xdd: {  	s28 =	sadd.s32 $0x480, s26;
	[sflag:s16] =	ssyncadd.s32 $0xFFFFC180  }
0xde: {  	[tilespmem:s23], [sflag:$0x2] =	stream.indirect.gather [hbm4b:s1+s20], $0x80, s28, s20, $0xb8;
	[tilespmem:$0x1E080] =	vst v63  }
0xdf: {  	_ =	swait.ge [sflag:s18], $0x3E80  }
0xe0: {  	p1 =	seq.s32 s25, $0x3C00;
	[sflag:s18] =	ssyncset.done $0x0  }
.Ltmp4:
0xe1: {  	s28 =	sadd.s32 $0x1800, s26;
	[sflag:s18] =	ssyncadd.s32 $0xFFFFC180;
	(pc) =	sbr.rel @p1 .LBB2_7-.Ltmp4, $4  }
0xe2: {  	[spmem:s2] =	stream.indirect.scatter.add.f32 [tilespmem:s21], [sflag:$0x3], $0x80, s28, s20, $0xb8;
	[tilespmem:$0x1E080] =	vst v63  }
0xe3: {  	_ =	swait.ge [sflag:s16], $0x3E80  }
0xe4: {  	[sflag:s16] =	ssyncset.done $0x0  }
0xe5: {  	s28 =	sadd.s32 $0x1880, s26;
	[sflag:s16] =	ssyncadd.s32 $0xFFFFC180  }
0xe6: {  	s29 =	sadd.s32 $0x500, s26  }
0xe7: {  	[tilespmem:s21], [sflag:$0x1] =	stream.indirect.gather [hbm4b:s1+s20], $0x80, s29, s20, $0xb8;
	[tilespmem:$0x1E080] =	vst v63  }
0xe8: {  	_ =	swait.ge [sflag:s19], $0x3E80  }
0xe9: {  	[sflag:s19] =	ssyncset.done $0x0  }
0xea: {  	[sflag:s19] =	ssyncadd.s32 $0xFFFFC180  }
0xeb: {  	[spmem:s2] =	stream.indirect.scatter.add.f32 [tilespmem:s23], [sflag:$0x3], $0x80, s28, s20, $0xb8;
	[tilespmem:$0x1E080] =	vst v63  }
.Ltmp5:
0xec: {  	_ = 	snop;
	(pc) =	sbr.rel .LBB2_5-.Ltmp5, $4  }
0xed: {  	_ =	swait.ge [sflag:s16], $0x3E80  }
0xee: {  	[sflag:s16] =	ssyncset.done $0x0  }
0xef: {  	s31 =	sadd.s32 $0x580, s26;
	s25 =	sadd.s32 $0x1400, s25;
	[sflag:s16] =	ssyncadd.s32 $0xFFFFC180  }
0xf0: {  	[tilespmem:s23], [sflag:$0x2] =	stream.indirect.gather [hbm4b:s1+s20], $0x80, s31, s20, $0xb8;
	[tilespmem:$0x1E080] =	vst v63  }
.LBB2_8:
0xf1: {  	_ =	sfence.sel $0x180000  }
0xf2: {  	[bflag:$0x0] =	sbarrier.arrive $0xFFFF  }
0xf3: {  	p0 =	sne.s32 s3, $0x0;
	_ =	strace $0x90000047  }
0xf4: {  	s0 =	sadd.s32 @!p0 $0x100000, s0;
	[bflag:$0x2] =	sbarrier.arrive $0xFFFF  }
0xf5: {  	[sflag:s0] =	ssyncadd.tile.s32 @!p0 $0x1;
	_ =	shalt  }
.Lfunc_end2:
_tile_overlayer_lowered:
.L_overlay_start_2:
0xf6: {  	(tag) =	ssettag $0x2  }
0xf7: {  	s0 =	rddreg [dreg:$0x0];
	s2 =	stileid.u32  }
0xf8: {  	s1 =	rddreg [dreg:$0x1];
	p0 =	sne.s32 s2, $0x0  }
0xf9: {  	s3 =	rddreg [dreg:$0x2];
	[bflag:$0x3] =	sbarrier.arrive $0xFFFF;
	s2 =	simm.s32 @!p0 $0x1C03  }
0xfa: {  	[timem:s3], [sflag:s2] =	dma.local @!p0 [hbm:s0], s1  }
0xfb: {  	s0 =	simm.s32 @!p0 $0x3  }
0xfc: {  	_ =	swait.ge @!p0 [sflag:s0], s1  }
0xfd: {  	s1 =	ssub.s32 @!p0 $0x0, s1;
	[sflag:s0] =	ssyncset.done @!p0 $0x0  }
0xfe: {  	[sflag:s0] =	ssyncadd.s32 @!p0 s1  }
0xff: {  	[bflag:$0x3] =	sbarrier.arrive $0xFFFF  }
0x100: {  	_ =	shalt  }

</sc_bundles>
